<compile_context>
chip_gen: v7x
topology: tpu7x:2x2x1
jax: 0.10.2.dev20260603
libtpu: 0.0.44.dev20260713+nightly
codegen_flags: <defaults>
</compile_context>

<pallas_src>
import jax
import jax.numpy as jnp
from jax import lax
from jax.experimental import pallas as pl
from jax.experimental.pallas import tpu as pltpu
from jax.experimental.pallas import tpu_sc as plsc

_NC, _NS = 2, 16
_NW = _NC * _NS
_N = 100000
_G = 512
_D = 128

_S = 56000
_ROWS_PER_W = _S // _NW
_CH = 125
_NCH = _ROWS_PER_W // _CH
_D_RING = 2

_BLK = 2000


def _sc_segsum_body(nodes, idx2, partial, shared, nbuf, idxv, zbuf, sem_s, sem_c):
    c = lax.axis_index("c")
    s = lax.axis_index("s")
    wid = c * _NS + s
    base = wid * _ROWS_PER_W
    gpt = _G // _NS

    def stage(j, b):
        pltpu.async_copy(
            nodes.at[pl.ds(base + j * _CH, _CH), :], nbuf.at[b], sem_s.at[b]
        )

    for b in range(_D_RING):
        stage(b, b)
    idx_cp = pltpu.async_copy(
        idx2.at[pl.ds(wid * _NCH, _NCH)], idxv, sem_c.at[0]
    )

    @pl.loop(0, gpt)
    def _(i):
        @pl.loop(0, _D // 16, unroll=8)
        def _(k):
            zbuf[i, pl.ds(k * 16, 16)] = jnp.zeros((16,), jnp.float32)

    pltpu.sync_copy(zbuf, shared.at[pl.ds(s * gpt, gpt)])
    idx_cp.wait()

    plsc.subcore_barrier()

    @pl.loop(0, _NCH // _D_RING)
    def _(g):
        j0 = g * _D_RING
        for b in range(_D_RING):
            pltpu.make_async_copy(
                nodes.at[pl.ds(base, _CH), :], nbuf.at[b], sem_s.at[b]
            ).wait()
            pltpu.async_copy(
                nbuf.at[b],
                shared.at[idxv.at[j0 + b]],
                sem_c.at[b],
                add=True,
            )
        for b in range(_D_RING):
            pltpu.make_async_copy(
                nbuf.at[b], shared.at[idxv.at[0]], sem_c.at[b]
            ).wait()

            @pl.when(j0 + _D_RING + b < _NCH)
            def _():
                stage(j0 + _D_RING + b, b)

    plsc.subcore_barrier()
    pltpu.sync_copy(
        shared.at[pl.ds(s * gpt, gpt)], partial.at[c, pl.ds(s * gpt, gpt)]
    )


_W = 256


def _tc_onehot_body(g0r_ref, need2_ref, idx_ref, nodes_ref, out_ref, acc_ref):
    i = pl.program_id(0)
    n_blocks = pl.num_programs(0)
    blk0 = _S // _BLK

    @pl.when(i == 0)
    def _():
        acc_ref[...] = jnp.zeros_like(acc_ref)

    g0r = pl.multiple_of(g0r_ref[i + blk0], 8)
    idx = idx_ref[0, 0, :]
    rel = idx - g0r
    nodes_bf = nodes_ref[...].astype(jnp.bfloat16)
    iota = lax.broadcasted_iota(jnp.int32, (_W, _BLK), 0)

    oh0 = (iota == rel[None, :]).astype(jnp.bfloat16)
    acc_ref[pl.ds(g0r, _W), :] += jnp.dot(
        oh0, nodes_bf, preferred_element_type=jnp.float32
    )

    @pl.when(need2_ref[i + blk0] == 1)
    def _():
        oh1 = (iota + _W == rel[None, :]).astype(jnp.bfloat16)
        acc_ref[pl.ds(g0r + _W, _W), :] += jnp.dot(
            oh1, nodes_bf, preferred_element_type=jnp.float32
        )

    @pl.when(i == n_blocks - 1)
    def _():
        out_ref[...] = acc_ref[: _G, :]


def _combine_body(sc_ref, tc_ref, glob_ref, w_ref, b_ref, out_ref):
    segsum = sc_ref[0] + sc_ref[1] + tc_ref[...]
    d_feat = segsum.shape[1]
    w_top = w_ref[:d_feat, :]
    w_bot = w_ref[d_feat:, :]
    out_ref[...] = (
        jnp.dot(segsum, w_top, preferred_element_type=jnp.float32)
        + jnp.dot(glob_ref[...], w_bot, preferred_element_type=jnp.float32)
        + b_ref[...][None, :]
    )


@jax.jit
def kernel(nodes, edges, receivers, senders, global_latent, node_graph_idx,
           edge_graph_idx, W, b):
    n_graphs, d_global = global_latent.shape
    d_out = W.shape[1]

    idx2 = node_graph_idx.reshape(_N // _CH, _CH)

    mesh = plsc.VectorSubcoreMesh(core_axis_name="c", subcore_axis_name="s")
    sc_segsum = pl.kernel(
        _sc_segsum_body,
        out_type=jax.ShapeDtypeStruct((_NC, _G, _D), jnp.float32),
        mesh=mesh,
        scratch_types=[
            pltpu.VMEM_SHARED((_G, _D), jnp.float32),
            pltpu.VMEM((_D_RING, _CH, _D), jnp.float32),
            pltpu.VMEM((_NCH, _CH), jnp.int32),
            pltpu.VMEM((_G // _NS, _D), jnp.float32),
            pltpu.SemaphoreType.DMA((_D_RING,)),
            pltpu.SemaphoreType.DMA((_D_RING,)),
        ],
        compiler_params=pltpu.CompilerParams(use_tc_tiling_on_sc=False),
    )
    sc_partial = sc_segsum(nodes, idx2)

    n_blocks = (_N - _S) // _BLK
    blk0 = _S // _BLK
    idx_tc = node_graph_idx.reshape(_N // _BLK, 1, _BLK)
    g0r = (node_graph_idx[:: _BLK] // 8) * 8
    gmax = node_graph_idx[_BLK - 1 :: _BLK]
    need2 = (gmax - g0r >= _W).astype(jnp.int32)
    tc_partial = pl.pallas_call(
        _tc_onehot_body,
        grid_spec=pltpu.PrefetchScalarGridSpec(
            num_scalar_prefetch=2,
            grid=(n_blocks,),
            in_specs=[
                pl.BlockSpec((1, 1, _BLK), lambda i, *_: (i + blk0, 0, 0)),
                pl.BlockSpec((_BLK, _D), lambda i, *_: (i + blk0, 0)),
            ],
            out_specs=pl.BlockSpec((_G, _D), lambda i, *_: (0, 0)),
            scratch_shapes=[pltpu.VMEM((2 * _G, _D), jnp.float32)],
        ),
        out_shape=jax.ShapeDtypeStruct((_G, _D), jnp.float32),
    )(g0r, need2, idx_tc, nodes)

    return pl.pallas_call(
        _combine_body,
        out_shape=jax.ShapeDtypeStruct((n_graphs, d_out), jnp.float32),
    )(sc_partial, tc_partial, global_latent, W, b)

# --- scband reference (transcript-rebuilt; emitter-appended) ---
"""Pipeline reference for scband-decoder-layer-23450521436274 (READ-ONLY COPY).

The authoritative reference and input builder live on the scoring server;
editing this copy changes nothing except your own understanding.
"""

import jax, jax.numpy as jnp
import numpy as np

N_NODES = 100000
N_EDGES = 1600000
D_FEAT = 128
D_EDGE = 16
N_GRAPHS = 512
D_GLOBAL = 128
D_OUT = 128


def setup_inputs(seed: int = 0) -> dict:
    key = jax.random.key(seed)
    k1, k2, k3, k4, k5, k6, k7, k8, k9 = jax.random.split(key, 9)
    nodes = jax.random.normal(k1, (N_NODES, D_FEAT), dtype=jnp.float32)
    edges = jax.random.normal(k2, (N_EDGES, D_EDGE), dtype=jnp.float32)
    receivers = jax.random.randint(k3, (N_EDGES,), 0, N_NODES, dtype=jnp.int64 if jax.config.jax_enable_x64 else jnp.int32).astype(jnp.int32)
    senders = jax.random.randint(k4, (N_EDGES,), 0, N_NODES, dtype=jnp.int32)
    global_latent = jax.random.normal(k5, (N_GRAPHS, D_GLOBAL), dtype=jnp.float32)
    node_graph_idx = jnp.sort(jax.random.randint(k6, (N_NODES,), 0, N_GRAPHS, dtype=jnp.int32))
    edge_graph_idx = jnp.sort(jax.random.randint(k7, (N_EDGES,), 0, N_GRAPHS, dtype=jnp.int32))
    # global_model: tf.keras.layers.Dense(128) applied to concat([segment_sum(nodes), global_latent]) -> in_dim = D_FEAT + D_GLOBAL
    W = jax.random.normal(k8, (D_FEAT + D_GLOBAL, D_OUT), dtype=jnp.float32) * (1.0 / np.sqrt(D_FEAT + D_GLOBAL))
    b = jnp.zeros((D_OUT,), dtype=jnp.float32)
    return {"nodes": nodes, "edges": edges, "receivers": receivers, "senders": senders,
            "global_latent": global_latent, "node_graph_idx": node_graph_idx,
            "edge_graph_idx": edge_graph_idx, "W": W, "b": b}


def reference(nodes, edges, receivers, senders, global_latent, node_graph_idx, edge_graph_idx, W, b):
    # decoder_mode == 'node_global'
    num_segments = global_latent.shape[0]
    node_inputs_to_global_decoder = jax.ops.segment_sum(nodes, node_graph_idx, num_segments=num_segments)
    inputs_to_decoder = jnp.concatenate([node_inputs_to_global_decoder, global_latent], axis=1)
    logits = inputs_to_decoder @ W + b
    return logits

if __name__ == "__main__":
    import jax
    _d = setup_inputs()
    print(jax.jit(kernel)(*tuple(_d.values())))

</pallas_src>

<mosaic_0001>
#map = affine_map<(d0, d1) -> (0, 0)>
#map1 = affine_map<(d0, d1) -> (0, 0, 0)>
module attributes {stable_mosaic.version = 14 : i64} {
  func.func @_sc_segsum_body(%arg0: i32, %arg1: i32, %arg2: memref<100000x128xf32, #tpu.memory_space<hbm>>, %arg3: memref<800x125xi32, #tpu.memory_space<hbm>>, %arg4: memref<2x512x128xf32, #tpu.memory_space<hbm>>, %arg5: memref<512x128xf32, #tpu.memory_space<vmem_shared>>, %arg6: memref<2x125x128xf32, #tpu.memory_space<vmem>>, %arg7: memref<14x125xi32, #tpu.memory_space<vmem>>, %arg8: memref<32x128xf32, #tpu.memory_space<vmem>>, %arg9: memref<2x!tpu.dma_semaphore, #tpu.memory_space<semaphore_mem>>, %arg10: memref<2x!tpu.dma_semaphore, #tpu.memory_space<semaphore_mem>>) attributes {dimension_semantics = [#tpu.dimension_semantics<core_parallel>, #tpu.dimension_semantics<subcore_parallel>], iteration_bounds = array<i64: 2, 16>, scalar_prefetch = 0 : i64, scratch_operands = 6 : i64, tpu.core_type = #tpu.core_type<sc_vector_subcore>, window_params = [{transform_indices = #map}, {transform_indices = #map}, {transform_indices = #map1}]} {
    %mul3A = arith.constant 16 : i32
    %mul3A_0 = arith.muli %arg0, %mul3A : i32
    %add3A = arith.addi %mul3A_0, %arg1 : i32
    %mul3A_1 = arith.constant 1750 : i32
    %mul3A_2 = arith.muli %add3A, %mul3A_1 : i32
    %add3A_3 = arith.constant 0 : i32
    %add3A_4 = arith.addi %mul3A_2, %add3A_3 : i32
    %dma_start3A = arith.constant 0 : i32
    %dma_start3A_5 = arith.constant 0 : i32
    %dma_start3A_6 = arith.constant 0 : i32
    %dma_start3A_7 = arith.constant 0 : i32
    %dma_start3A_8 = tpu.memref_slice %arg6[%dma_start3A, %dma_start3A_6, %dma_start3A_7] : memref<2x125x128xf32, #tpu.memory_space<vmem>> -> memref<1x125x128xf32, #tpu.memory_space<vmem>>
    %dma_start3A_9 = tpu.memref_squeeze %dma_start3A_8 : memref<1x125x128xf32, #tpu.memory_space<vmem>> -> memref<125x128xf32, #tpu.memory_space<vmem>>
    %dma_start3A_10 = arith.constant 0 : i32
    %dma_start3A_11 = tpu.memref_slice %arg2[%add3A_4, %dma_start3A_10] : memref<100000x128xf32, #tpu.memory_space<hbm>> -> memref<125x128xf32, #tpu.memory_space<hbm>>
    %dma_start3A_12 = tpu.memref_slice %arg9[%dma_start3A_5] : memref<2x!tpu.dma_semaphore, #tpu.memory_space<semaphore_mem>> -> memref<1x!tpu.dma_semaphore, #tpu.memory_space<semaphore_mem>>
    %dma_start3A_13 = tpu.memref_squeeze %dma_start3A_12 : memref<1x!tpu.dma_semaphore, #tpu.memory_space<semaphore_mem>> -> memref<!tpu.dma_semaphore, #tpu.memory_space<semaphore_mem>>
    %dma_start3A_14 = arith.constant 0 : i32
    %dma_start3A_15 = arith.constant 0 : i32
    %dma_start3A_16 = tpu.memref_slice %arg6[%dma_start3A, %dma_start3A_14, %dma_start3A_15] : memref<2x125x128xf32, #tpu.memory_space<vmem>> -> memref<1x125x128xf32, #tpu.memory_space<vmem>>
    %dma_start3A_17 = tpu.memref_squeeze %dma_start3A_16 : memref<1x125x128xf32, #tpu.memory_space<vmem>> -> memref<125x128xf32, #tpu.memory_space<vmem>>
    %dma_start3A_18 = arith.constant 0 : i32
    %dma_start3A_19 = tpu.memref_slice %arg2[%add3A_4, %dma_start3A_18] : memref<100000x128xf32, #tpu.memory_space<hbm>> -> memref<125x128xf32, #tpu.memory_space<hbm>>
    tpu.enqueue_dma source(%dma_start3A_19 : memref<125x128xf32, #tpu.memory_space<hbm>>) target(%dma_start3A_17 : memref<125x128xf32, #tpu.memory_space<vmem>>) target_semaphore(%dma_start3A_13 : memref<!tpu.dma_semaphore, #tpu.memory_space<semaphore_mem>>)
    %add3A_20 = arith.constant 125 : i32
    %add3A_21 = arith.addi %mul3A_2, %add3A_20 : i32
    %dma_start3A_22 = arith.constant 1 : i32
    %dma_start3A_23 = arith.constant 1 : i32
    %dma_start3A_24 = arith.constant 0 : i32
    %dma_start3A_25 = arith.constant 0 : i32
    %dma_start3A_26 = tpu.memref_slice %arg6[%dma_start3A_22, %dma_start3A_24, %dma_start3A_25] : memref<2x125x128xf32, #tpu.memory_space<vmem>> -> memref<1x125x128xf32, #tpu.memory_space<vmem>>
    %dma_start3A_27 = tpu.memref_squeeze %dma_start3A_26 : memref<1x125x128xf32, #tpu.memory_space<vmem>> -> memref<125x128xf32, #tpu.memory_space<vmem>>
    %dma_start3A_28 = arith.constant 0 : i32
    %dma_start3A_29 = tpu.memref_slice %arg2[%add3A_21, %dma_start3A_28] : memref<100000x128xf32, #tpu.memory_space<hbm>> -> memref<125x128xf32, #tpu.memory_space<hbm>>
    %dma_start3A_30 = tpu.memref_slice %arg9[%dma_start3A_23] : memref<2x!tpu.dma_semaphore, #tpu.memory_space<semaphore_mem>> -> memref<1x!tpu.dma_semaphore, #tpu.memory_space<semaphore_mem>>
    %dma_start3A_31 = tpu.memref_squeeze %dma_start3A_30 : memref<1x!tpu.dma_semaphore, #tpu.memory_space<semaphore_mem>> -> memref<!tpu.dma_semaphore, #tpu.memory_space<semaphore_mem>>
    %dma_start3A_32 = arith.constant 0 : i32
    %dma_start3A_33 = arith.constant 0 : i32
    %dma_start3A_34 = tpu.memref_slice %arg6[%dma_start3A_22, %dma_start3A_32, %dma_start3A_33] : memref<2x125x128xf32, #tpu.memory_space<vmem>> -> memref<1x125x128xf32, #tpu.memory_space<vmem>>
    %dma_start3A_35 = tpu.memref_squeeze %dma_start3A_34 : memref<1x125x128xf32, #tpu.memory_space<vmem>> -> memref<125x128xf32, #tpu.memory_space<vmem>>
    %dma_start3A_36 = arith.constant 0 : i32
    %dma_start3A_37 = tpu.memref_slice %arg2[%add3A_21, %dma_start3A_36] : memref<100000x128xf32, #tpu.memory_space<hbm>> -> memref<125x128xf32, #tpu.memory_space<hbm>>
    tpu.enqueue_dma source(%dma_start3A_37 : memref<125x128xf32, #tpu.memory_space<hbm>>) target(%dma_start3A_35 : memref<125x128xf32, #tpu.memory_space<vmem>>) target_semaphore(%dma_start3A_31 : memref<!tpu.dma_semaphore, #tpu.memory_space<semaphore_mem>>)
    %mul3A_38 = arith.constant 14 : i32
    %mul3A_39 = arith.muli %add3A, %mul3A_38 : i32
    %dma_start3A_40 = arith.constant 0 : i32
    %dma_start3A_41 = arith.constant 0 : i32
    %dma_start3A_42 = tpu.memref_slice %arg3[%mul3A_39, %dma_start3A_41] : memref<800x125xi32, #tpu.memory_space<hbm>> -> memref<14x125xi32, #tpu.memory_space<hbm>>
    %dma_start3A_43 = tpu.memref_slice %arg10[%dma_start3A_40] : memref<2x!tpu.dma_semaphore, #tpu.memory_space<semaphore_mem>> -> memref<1x!tpu.dma_semaphore, #tpu.memory_space<semaphore_mem>>
    %dma_start3A_44 = tpu.memref_squeeze %dma_start3A_43 : memref<1x!tpu.dma_semaphore, #tpu.memory_space<semaphore_mem>> -> memref<!tpu.dma_semaphore, #tpu.memory_space<semaphore_mem>>
    %dma_start3A_45 = arith.constant 0 : i32
    %dma_start3A_46 = tpu.memref_slice %arg3[%mul3A_39, %dma_start3A_45] : memref<800x125xi32, #tpu.memory_space<hbm>> -> memref<14x125xi32, #tpu.memory_space<hbm>>
    tpu.enqueue_dma source(%dma_start3A_46 : memref<14x125xi32, #tpu.memory_space<hbm>>) target(%arg7 : memref<14x125xi32, #tpu.memory_space<vmem>>) target_semaphore(%dma_start3A_44 : memref<!tpu.dma_semaphore, #tpu.memory_space<semaphore_mem>>)
    %scan3A = arith.constant 0 : i32
    %scan3A_47 = arith.constant 32 : i32
    %scan3A_48 = arith.addi %scan3A, %scan3A_47 : i32
    %scan3A_49 = arith.constant 1 : i32
    scf.for %scan3A_69 = %scan3A to %scan3A_48 step %scan3A_49  : i32 {
      %mul3A_70 = arith.constant 1 : i32
      %mul3A_71 = arith.muli %scan3A_69, %mul3A_70 : i32
      %add3A_72 = arith.constant 0 : i32
      %add3A_73 = arith.addi %add3A_72, %mul3A_71 : i32
      %scan3A_74 = arith.constant 0 : i32
      %mul3A_75 = arith.constant 1 : i32
      %mul3A_76 = arith.muli %scan3A_74, %mul3A_75 : i32
      %add3A_77 = arith.constant 0 : i32
      %add3A_78 = arith.addi %add3A_77, %mul3A_76 : i32
      %broadcast_in_dim3A = arith.constant 0.000000e+00 : f32
      %broadcast_in_dim3A_79 = vector.broadcast %broadcast_in_dim3A : f32 to vector<16xf32>
      %mul3A_80 = arith.constant 16 : i32
      %mul3A_81 = arith.muli %add3A_78, %mul3A_80 : i32
      %swap3A = arith.index_cast %add3A_73 : i32 to index
      %swap3A_82 = arith.index_cast %mul3A_81 : i32 to index
      %swap3A_83 = tpu.vector_load %arg8[%swap3A, %swap3A_82] {strides = array<i32>} : memref<32x128xf32, #tpu.memory_space<vmem>>, vector<1x16xf32>,
      %swap3A_84 = vector.shape_cast %swap3A_83 : vector<1x16xf32> to vector<16xf32>
      %swap3A_85 = vector.shape_cast %broadcast_in_dim3A_79 : vector<16xf32> to vector<1x16xf32>
      tpu.vector_store %arg8[%swap3A, %swap3A_82], %swap3A_85 {strides = array<i32>} : memref<32x128xf32, #tpu.memory_space<vmem>>, vector<1x16xf32>,
      %scan3A_86 = arith.constant 1 : i32
      %mul3A_87 = arith.constant 1 : i32
      %mul3A_88 = arith.muli %scan3A_86, %mul3A_87 : i32
      %add3A_89 = arith.constant 0 : i32
      %add3A_90 = arith.addi %add3A_89, %mul3A_88 : i32
      %broadcast_in_dim3A_91 = arith.constant 0.000000e+00 : f32
      %broadcast_in_dim3A_92 = vector.broadcast %broadcast_in_dim3A_91 : f32 to vector<16xf32>
      %mul3A_93 = arith.constant 16 : i32
      %mul3A_94 = arith.muli %add3A_90, %mul3A_93 : i32
      %swap3A_95 = arith.index_cast %add3A_73 : i32 to index
      %swap3A_96 = arith.index_cast %mul3A_94 : i32 to index
      %swap3A_97 = tpu.vector_load %arg8[%swap3A_95, %swap3A_96] {strides = array<i32>} : memref<32x128xf32, #tpu.memory_space<vmem>>, vector<1x16xf32>,
      %swap3A_98 = vector.shape_cast %swap3A_97 : vector<1x16xf32> to vector<16xf32>
      %swap3A_99 = vector.shape_cast %broadcast_in_dim3A_92 : vector<16xf32> to vector<1x16xf32>
      tpu.vector_store %arg8[%swap3A_95, %swap3A_96], %swap3A_99 {strides = array<i32>} : memref<32x128xf32, #tpu.memory_space<vmem>>, vector<1x16xf32>,
      %scan3A_100 = arith.constant 2 : i32
      %mul3A_101 = arith.constant 1 : i32
      %mul3A_102 = arith.muli %scan3A_100, %mul3A_101 : i32
      %add3A_103 = arith.constant 0 : i32
      %add3A_104 = arith.addi %add3A_103, %mul3A_102 : i32
      %broadcast_in_dim3A_105 = arith.constant 0.000000e+00 : f32
      %broadcast_in_dim3A_106 = vector.broadcast %broadcast_in_dim3A_105 : f32 to vector<16xf32>
      %mul3A_107 = arith.constant 16 : i32
      %mul3A_108 = arith.muli %add3A_104, %mul3A_107 : i32
      %swap3A_109 = arith.index_cast %add3A_73 : i32 to index
      %swap3A_110 = arith.index_cast %mul3A_108 : i32 to index
      %swap3A_111 = tpu.vector_load %arg8[%swap3A_109, %swap3A_110] {strides = array<i32>} : memref<32x128xf32, #tpu.memory_space<vmem>>, vector<1x16xf32>,
      %swap3A_112 = vector.shape_cast %swap3A_111 : vector<1x16xf32> to vector<16xf32>
      %swap3A_113 = vector.shape_cast %broadcast_in_dim3A_106 : vector<16xf32> to vector<1x16xf32>
      tpu.vector_store %arg8[%swap3A_109, %swap3A_110], %swap3A_113 {strides = array<i32>} : memref<32x128xf32, #tpu.memory_space<vmem>>, vector<1x16xf32>,
      %scan3A_114 = arith.constant 3 : i32
      %mul3A_115 = arith.constant 1 : i32
      %mul3A_116 = arith.muli %scan3A_114, %mul3A_115 : i32
      %add3A_117 = arith.constant 0 : i32
      %add3A_118 = arith.addi %add3A_117, %mul3A_116 : i32
      %broadcast_in_dim3A_119 = arith.constant 0.000000e+00 : f32
      %broadcast_in_dim3A_120 = vector.broadcast %broadcast_in_dim3A_119 : f32 to vector<16xf32>
      %mul3A_121 = arith.constant 16 : i32
      %mul3A_122 = arith.muli %add3A_118, %mul3A_121 : i32
      %swap3A_123 = arith.index_cast %add3A_73 : i32 to index
      %swap3A_124 = arith.index_cast %mul3A_122 : i32 to index
      %swap3A_125 = tpu.vector_load %arg8[%swap3A_123, %swap3A_124] {strides = array<i32>} : memref<32x128xf32, #tpu.memory_space<vmem>>, vector<1x16xf32>,
      %swap3A_126 = vector.shape_cast %swap3A_125 : vector<1x16xf32> to vector<16xf32>
      %swap3A_127 = vector.shape_cast %broadcast_in_dim3A_120 : vector<16xf32> to vector<1x16xf32>
      tpu.vector_store %arg8[%swap3A_123, %swap3A_124], %swap3A_127 {strides = array<i32>} : memref<32x128xf32, #tpu.memory_space<vmem>>, vector<1x16xf32>,
      %scan3A_128 = arith.constant 4 : i32
      %mul3A_129 = arith.constant 1 : i32
      %mul3A_130 = arith.muli %scan3A_128, %mul3A_129 : i32
      %add3A_131 = arith.constant 0 : i32
      %add3A_132 = arith.addi %add3A_131, %mul3A_130 : i32
      %broadcast_in_dim3A_133 = arith.constant 0.000000e+00 : f32
      %broadcast_in_dim3A_134 = vector.broadcast %broadcast_in_dim3A_133 : f32 to vector<16xf32>
      %mul3A_135 = arith.constant 16 : i32
      %mul3A_136 = arith.muli %add3A_132, %mul3A_135 : i32
      %swap3A_137 = arith.index_cast %add3A_73 : i32 to index
      %swap3A_138 = arith.index_cast %mul3A_136 : i32 to index
      %swap3A_139 = tpu.vector_load %arg8[%swap3A_137, %swap3A_138] {strides = array<i32>} : memref<32x128xf32, #tpu.memory_space<vmem>>, vector<1x16xf32>,
      %swap3A_140 = vector.shape_cast %swap3A_139 : vector<1x16xf32> to vector<16xf32>
      %swap3A_141 = vector.shape_cast %broadcast_in_dim3A_134 : vector<16xf32> to vector<1x16xf32>
      tpu.vector_store %arg8[%swap3A_137, %swap3A_138], %swap3A_141 {strides = array<i32>} : memref<32x128xf32, #tpu.memory_space<vmem>>, vector<1x16xf32>,
      %scan3A_142 = arith.constant 5 : i32
      %mul3A_143 = arith.constant 1 : i32
      %mul3A_144 = arith.muli %scan3A_142, %mul3A_143 : i32
      %add3A_145 = arith.constant 0 : i32
      %add3A_146 = arith.addi %add3A_145, %mul3A_144 : i32
      %broadcast_in_dim3A_147 = arith.constant 0.000000e+00 : f32
      %broadcast_in_dim3A_148 = vector.broadcast %broadcast_in_dim3A_147 : f32 to vector<16xf32>
      %mul3A_149 = arith.constant 16 : i32
      %mul3A_150 = arith.muli %add3A_146, %mul3A_149 : i32
      %swap3A_151 = arith.index_cast %add3A_73 : i32 to index
      %swap3A_152 = arith.index_cast %mul3A_150 : i32 to index
      %swap3A_153 = tpu.vector_load %arg8[%swap3A_151, %swap3A_152] {strides = array<i32>} : memref<32x128xf32, #tpu.memory_space<vmem>>, vector<1x16xf32>,
      %swap3A_154 = vector.shape_cast %swap3A_153 : vector<1x16xf32> to vector<16xf32>
      %swap3A_155 = vector.shape_cast %broadcast_in_dim3A_148 : vector<16xf32> to vector<1x16xf32>
      tpu.vector_store %arg8[%swap3A_151, %swap3A_152], %swap3A_155 {strides = array<i32>} : memref<32x128xf32, #tpu.memory_space<vmem>>, vector<1x16xf32>,
      %scan3A_156 = arith.constant 6 : i32
      %mul3A_157 = arith.constant 1 : i32
      %mul3A_158 = arith.muli %scan3A_156, %mul3A_157 : i32
      %add3A_159 = arith.constant 0 : i32
      %add3A_160 = arith.addi %add3A_159, %mul3A_158 : i32
      %broadcast_in_dim3A_161 = arith.constant 0.000000e+00 : f32
      %broadcast_in_dim3A_162 = vector.broadcast %broadcast_in_dim3A_161 : f32 to vector<16xf32>
      %mul3A_163 = arith.constant 16 : i32
      %mul3A_164 = arith.muli %add3A_160, %mul3A_163 : i32
      %swap3A_165 = arith.index_cast %add3A_73 : i32 to index
      %swap3A_166 = arith.index_cast %mul3A_164 : i32 to index
      %swap3A_167 = tpu.vector_load %arg8[%swap3A_165, %swap3A_166] {strides = array<i32>} : memref<32x128xf32, #tpu.memory_space<vmem>>, vector<1x16xf32>,
      %swap3A_168 = vector.shape_cast %swap3A_167 : vector<1x16xf32> to vector<16xf32>
      %swap3A_169 = vector.shape_cast %broadcast_in_dim3A_162 : vector<16xf32> to vector<1x16xf32>
      tpu.vector_store %arg8[%swap3A_165, %swap3A_166], %swap3A_169 {strides = array<i32>} : memref<32x128xf32, #tpu.memory_space<vmem>>, vector<1x16xf32>,
      %scan3A_170 = arith.constant 7 : i32
      %mul3A_171 = arith.constant 1 : i32
      %mul3A_172 = arith.muli %scan3A_170, %mul3A_171 : i32
      %add3A_173 = arith.constant 0 : i32
      %add3A_174 = arith.addi %add3A_173, %mul3A_172 : i32
      %broadcast_in_dim3A_175 = arith.constant 0.000000e+00 : f32
      %broadcast_in_dim3A_176 = vector.broadcast %broadcast_in_dim3A_175 : f32 to vector<16xf32>
      %mul3A_177 = arith.constant 16 : i32
      %mul3A_178 = arith.muli %add3A_174, %mul3A_177 : i32
      %swap3A_179 = arith.index_cast %add3A_73 : i32 to index
      %swap3A_180 = arith.index_cast %mul3A_178 : i32 to index
      %swap3A_181 = tpu.vector_load %arg8[%swap3A_179, %swap3A_180] {strides = array<i32>} : memref<32x128xf32, #tpu.memory_space<vmem>>, vector<1x16xf32>,
      %swap3A_182 = vector.shape_cast %swap3A_181 : vector<1x16xf32> to vector<16xf32>
      %swap3A_183 = vector.shape_cast %broadcast_in_dim3A_176 : vector<16xf32> to vector<1x16xf32>
      tpu.vector_store %arg8[%swap3A_179, %swap3A_180], %swap3A_183 {strides = array<i32>} : memref<32x128xf32, #tpu.memory_space<vmem>>, vector<1x16xf32>,
      %scan3A_184 = arith.constant 8 : i32
    }
    %scan3A_50 = arith.constant 32 : i32
    %mul3A_51 = arith.constant 32 : i32
    %mul3A_52 = arith.muli %arg1, %mul3A_51 : i32
    "tpu.region"() ({
      %run_scoped3A = tpu.sem_alloc : memref<!tpu.dma_semaphore, #tpu.memory_space<semaphore_mem>>
      %dma_start3A_69 = arith.constant 0 : i32
      %dma_start3A_70 = tpu.memref_slice %arg5[%mul3A_52, %dma_start3A_69] : memref<512x128xf32, #tpu.memory_space<vmem_shared>> -> memref<32x128xf32, #tpu.memory_space<vmem_shared>>
      %dma_start3A_71 = arith.constant 0 : i32
      %dma_start3A_72 = tpu.memref_slice %arg5[%mul3A_52, %dma_start3A_71] : memref<512x128xf32, #tpu.memory_space<vmem_shared>> -> memref<32x128xf32, #tpu.memory_space<vmem_shared>>
      tpu.enqueue_dma source(%arg8 : memref<32x128xf32, #tpu.memory_space<vmem>>) target(%dma_start3A_72 : memref<32x128xf32, #tpu.memory_space<vmem_shared>>) target_semaphore(%run_scoped3A : memref<!tpu.dma_semaphore, #tpu.memory_space<semaphore_mem>>)
      %dma_wait3A_73 = arith.constant 0 : i32
      %dma_wait3A_74 = tpu.memref_slice %arg5[%mul3A_52, %dma_wait3A_73] : memref<512x128xf32, #tpu.memory_space<vmem_shared>> -> memref<32x128xf32, #tpu.memory_space<vmem_shared>>
      %dma_wait3A_75 = arith.constant 0 : i32
      %dma_wait3A_76 = tpu.memref_slice %arg5[%mul3A_52, %dma_wait3A_75] : memref<512x128xf32, #tpu.memory_space<vmem_shared>> -> memref<32x128xf32, #tpu.memory_space<vmem_shared>>
      tpu.wait_dma2 semaphore(%run_scoped3A : memref<!tpu.dma_semaphore, #tpu.memory_space<semaphore_mem>>) src(%arg8 : memref<32x128xf32, #tpu.memory_space<vmem>>) dst(%dma_wait3A_76 : memref<32x128xf32, #tpu.memory_space<vmem_shared>>)
      tpu.yield
    }) : () -> ()
    %dma_wait3A = arith.constant 0 : i32
    %dma_wait3A_53 = arith.constant 0 : i32
    %dma_wait3A_54 = tpu.memref_slice %arg3[%mul3A_39, %dma_wait3A_53] : memref<800x125xi32, #tpu.memory_space<hbm>> -> memref<14x125xi32, #tpu.memory_space<hbm>>
    %dma_wait3A_55 = tpu.memref_slice %arg10[%dma_wait3A] : memref<2x!tpu.dma_semaphore, #tpu.memory_space<semaphore_mem>> -> memref<1x!tpu.dma_semaphore, #tpu.memory_space<semaphore_mem>>
    %dma_wait3A_56 = tpu.memref_squeeze %dma_wait3A_55 : memref<1x!tpu.dma_semaphore, #tpu.memory_space<semaphore_mem>> -> memref<!tpu.dma_semaphore, #tpu.memory_space<semaphore_mem>>
    %dma_wait3A_57 = arith.constant 0 : i32
    %dma_wait3A_58 = tpu.memref_slice %arg3[%mul3A_39, %dma_wait3A_57] : memref<800x125xi32, #tpu.memory_space<hbm>> -> memref<14x125xi32, #tpu.memory_space<hbm>>
    tpu.wait_dma2 semaphore(%dma_wait3A_56 : memref<!tpu.dma_semaphore, #tpu.memory_space<semaphore_mem>>) src(%dma_wait3A_58 : memref<14x125xi32, #tpu.memory_space<hbm>>) dst(%arg7 : memref<14x125xi32, #tpu.memory_space<vmem>>)
    %barrier3A = arith.constant 0 : index
    tpu.barrier barrier_id(%barrier3A)
    %scan3A_59 = arith.constant 0 : i32
    %scan3A_60 = arith.constant 7 : i32
    %scan3A_61 = arith.addi %scan3A_59, %scan3A_60 : i32
    %scan3A_62 = arith.constant 1 : i32
    scf.for %scan3A_69 = %scan3A_59 to %scan3A_61 step %scan3A_62  : i32 {
      %mul3A_70 = arith.constant 1 : i32
      %mul3A_71 = arith.muli %scan3A_69, %mul3A_70 : i32
      %add3A_72 = arith.constant 0 : i32
      %add3A_73 = arith.addi %add3A_72, %mul3A_71 : i32
      %mul3A_74 = arith.constant 2 : i32
      %mul3A_75 = arith.muli %add3A_73, %mul3A_74 : i32
      %dma_wait3A_76 = arith.constant 0 : i32
      %dma_wait3A_77 = arith.constant 0 : i32
      %dma_wait3A_78 = arith.constant 0 : i32
      %dma_wait3A_79 = arith.constant 0 : i32
      %dma_wait3A_80 = tpu.memref_slice %arg6[%dma_wait3A_76, %dma_wait3A_78, %dma_wait3A_79] : memref<2x125x128xf32, #tpu.memory_space<vmem>> -> memref<1x125x128xf32, #tpu.memory_space<vmem>>
      %dma_wait3A_81 = tpu.memref_squeeze %dma_wait3A_80 : memref<1x125x128xf32, #tpu.memory_space<vmem>> -> memref<125x128xf32, #tpu.memory_space<vmem>>
      %dma_wait3A_82 = arith.constant 0 : i32
      %dma_wait3A_83 = tpu.memref_slice %arg2[%mul3A_2, %dma_wait3A_82] : memref<100000x128xf32, #tpu.memory_space<hbm>> -> memref<125x128xf32, #tpu.memory_space<hbm>>
      %dma_wait3A_84 = tpu.memref_slice %arg9[%dma_wait3A_77] : memref<2x!tpu.dma_semaphore, #tpu.memory_space<semaphore_mem>> -> memref<1x!tpu.dma_semaphore, #tpu.memory_space<semaphore_mem>>
      %dma_wait3A_85 = tpu.memref_squeeze %dma_wait3A_84 : memref<1x!tpu.dma_semaphore, #tpu.memory_space<semaphore_mem>> -> memref<!tpu.dma_semaphore, #tpu.memory_space<semaphore_mem>>
      %dma_wait3A_86 = arith.constant 0 : i32
      %dma_wait3A_87 = arith.constant 0 : i32
      %dma_wait3A_88 = tpu.memref_slice %arg6[%dma_wait3A_76, %dma_wait3A_86, %dma_wait3A_87] : memref<2x125x128xf32, #tpu.memory_space<vmem>> -> memref<1x125x128xf32, #tpu.memory_space<vmem>>
      %dma_wait3A_89 = tpu.memref_squeeze %dma_wait3A_88 : memref<1x125x128xf32, #tpu.memory_space<vmem>> -> memref<125x128xf32, #tpu.memory_space<vmem>>
      %dma_wait3A_90 = arith.constant 0 : i32
      %dma_wait3A_91 = tpu.memref_slice %arg2[%mul3A_2, %dma_wait3A_90] : memref<100000x128xf32, #tpu.memory_space<hbm>> -> memref<125x128xf32, #tpu.memory_space<hbm>>
      tpu.wait_dma2 semaphore(%dma_wait3A_85 : memref<!tpu.dma_semaphore, #tpu.memory_space<semaphore_mem>>) src(%dma_wait3A_91 : memref<125x128xf32, #tpu.memory_space<hbm>>) dst(%dma_wait3A_89 : memref<125x128xf32, #tpu.memory_space<vmem>>)
      %add3A_92 = arith.constant 0 : i32
      %add3A_93 = arith.addi %mul3A_75, %add3A_92 : i32
      %dma_start3A_94 = arith.constant 0 : i32
      %dma_start3A_95 = arith.constant 0 : i32
      %dma_start3A_96 = arith.constant 0 : i32
      %dma_start3A_97 = arith.constant 0 : i32
      %dma_start3A_98 = tpu.memref_slice %arg6[%dma_start3A_94, %dma_start3A_96, %dma_start3A_97] : memref<2x125x128xf32, #tpu.memory_space<vmem>> -> memref<1x125x128xf32, #tpu.memory_space<vmem>>
      %dma_start3A_99 = tpu.memref_squeeze %dma_start3A_98 : memref<1x125x128xf32, #tpu.memory_space<vmem>> -> memref<125x128xf32, #tpu.memory_space<vmem>>
      %dma_start3A_100 = arith.constant 0 : i32
      %dma_start3A_101 = tpu.memref_slice %arg7[%add3A_93, %dma_start3A_100] : memref<14x125xi32, #tpu.memory_space<vmem>> -> memref<1x125xi32, #tpu.memory_space<vmem>>
      %dma_start3A_102 = tpu.memref_squeeze %dma_start3A_101 : memref<1x125xi32, #tpu.memory_space<vmem>> -> memref<125xi32, #tpu.memory_space<vmem>>
      %dma_start3A_103 = arith.constant 0 : i32
      %dma_start3A_104 = arith.constant 0 : i32
      %dma_start3A_105 = tpu.memref_slice %arg5[%dma_start3A_103, %dma_start3A_104] : memref<512x128xf32, #tpu.memory_space<vmem_shared>> -> memref<512x128xf32, #tpu.memory_space<vmem_shared>>
      %dma_start3A_106 = tpu.memref_slice %arg10[%dma_start3A_95] : memref<2x!tpu.dma_semaphore, #tpu.memory_space<semaphore_mem>> -> memref<1x!tpu.dma_semaphore, #tpu.memory_space<semaphore_mem>>
      %dma_start3A_107 = tpu.memref_squeeze %dma_start3A_106 : memref<1x!tpu.dma_semaphore, #tpu.memory_space<semaphore_mem>> -> memref<!tpu.dma_semaphore, #tpu.memory_space<semaphore_mem>>
      tpu.enqueue_indirect_dma source(%dma_start3A_99 : memref<125x128xf32, #tpu.memory_space<vmem>>) target(%dma_start3A_105 : memref<512x128xf32, #tpu.memory_space<vmem_shared>>) offsets(%dma_start3A_102 : memref<125xi32, #tpu.memory_space<vmem>>) semaphore(%dma_start3A_107 : memref<!tpu.dma_semaphore, #tpu.memory_space<semaphore_mem>>) {add = true}
      %dma_wait3A_108 = arith.constant 1 : i32
      %dma_wait3A_109 = arith.constant 1 : i32
      %dma_wait3A_110 = arith.constant 0 : i32
      %dma_wait3A_111 = arith.constant 0 : i32
      %dma_wait3A_112 = tpu.memref_slice %arg6[%dma_wait3A_108, %dma_wait3A_110, %dma_wait3A_111] : memref<2x125x128xf32, #tpu.memory_space<vmem>> -> memref<1x125x128xf32, #tpu.memory_space<vmem>>
      %dma_wait3A_113 = tpu.memref_squeeze %dma_wait3A_112 : memref<1x125x128xf32, #tpu.memory_space<vmem>> -> memref<125x128xf32, #tpu.memory_space<vmem>>
      %dma_wait3A_114 = arith.constant 0 : i32
      %dma_wait3A_115 = tpu.memref_slice %arg2[%mul3A_2, %dma_wait3A_114] : memref<100000x128xf32, #tpu.memory_space<hbm>> -> memref<125x128xf32, #tpu.memory_space<hbm>>
      %dma_wait3A_116 = tpu.memref_slice %arg9[%dma_wait3A_109] : memref<2x!tpu.dma_semaphore, #tpu.memory_space<semaphore_mem>> -> memref<1x!tpu.dma_semaphore, #tpu.memory_space<semaphore_mem>>
      %dma_wait3A_117 = tpu.memref_squeeze %dma_wait3A_116 : memref<1x!tpu.dma_semaphore, #tpu.memory_space<semaphore_mem>> -> memref<!tpu.dma_semaphore, #tpu.memory_space<semaphore_mem>>
      %dma_wait3A_118 = arith.constant 0 : i32
      %dma_wait3A_119 = arith.constant 0 : i32
      %dma_wait3A_120 = tpu.memref_slice %arg6[%dma_wait3A_108, %dma_wait3A_118, %dma_wait3A_119] : memref<2x125x128xf32, #tpu.memory_space<vmem>> -> memref<1x125x128xf32, #tpu.memory_space<vmem>>
      %dma_wait3A_121 = tpu.memref_squeeze %dma_wait3A_120 : memref<1x125x128xf32, #tpu.memory_space<vmem>> -> memref<125x128xf32, #tpu.memory_space<vmem>>
      %dma_wait3A_122 = arith.constant 0 : i32
      %dma_wait3A_123 = tpu.memref_slice %arg2[%mul3A_2, %dma_wait3A_122] : memref<100000x128xf32, #tpu.memory_space<hbm>> -> memref<125x128xf32, #tpu.memory_space<hbm>>
      tpu.wait_dma2 semaphore(%dma_wait3A_117 : memref<!tpu.dma_semaphore, #tpu.memory_space<semaphore_mem>>) src(%dma_wait3A_123 : memref<125x128xf32, #tpu.memory_space<hbm>>) dst(%dma_wait3A_121 : memref<125x128xf32, #tpu.memory_space<vmem>>)
      %add3A_124 = arith.constant 1 : i32
      %add3A_125 = arith.addi %mul3A_75, %add3A_124 : i32
      %dma_start3A_126 = arith.constant 1 : i32
      %dma_start3A_127 = arith.constant 1 : i32
      %dma_start3A_128 = arith.constant 0 : i32
      %dma_start3A_129 = arith.constant 0 : i32
      %dma_start3A_130 = tpu.memref_slice %arg6[%dma_start3A_126, %dma_start3A_128, %dma_start3A_129] : memref<2x125x128xf32, #tpu.memory_space<vmem>> -> memref<1x125x128xf32, #tpu.memory_space<vmem>>
      %dma_start3A_131 = tpu.memref_squeeze %dma_start3A_130 : memref<1x125x128xf32, #tpu.memory_space<vmem>> -> memref<125x128xf32, #tpu.memory_space<vmem>>
      %dma_start3A_132 = arith.constant 0 : i32
      %dma_start3A_133 = tpu.memref_slice %arg7[%add3A_125, %dma_start3A_132] : memref<14x125xi32, #tpu.memory_space<vmem>> -> memref<1x125xi32, #tpu.memory_space<vmem>>
      %dma_start3A_134 = tpu.memref_squeeze %dma_start3A_133 : memref<1x125xi32, #tpu.memory_space<vmem>> -> memref<125xi32, #tpu.memory_space<vmem>>
      %dma_start3A_135 = arith.constant 0 : i32
      %dma_start3A_136 = arith.constant 0 : i32
      %dma_start3A_137 = tpu.memref_slice %arg5[%dma_start3A_135, %dma_start3A_136] : memref<512x128xf32, #tpu.memory_space<vmem_shared>> -> memref<512x128xf32, #tpu.memory_space<vmem_shared>>
      %dma_start3A_138 = tpu.memref_slice %arg10[%dma_start3A_127] : memref<2x!tpu.dma_semaphore, #tpu.memory_space<semaphore_mem>> -> memref<1x!tpu.dma_semaphore, #tpu.memory_space<semaphore_mem>>
      %dma_start3A_139 = tpu.memref_squeeze %dma_start3A_138 : memref<1x!tpu.dma_semaphore, #tpu.memory_space<semaphore_mem>> -> memref<!tpu.dma_semaphore, #tpu.memory_space<semaphore_mem>>
      tpu.enqueue_indirect_dma source(%dma_start3A_131 : memref<125x128xf32, #tpu.memory_space<vmem>>) target(%dma_start3A_137 : memref<512x128xf32, #tpu.memory_space<vmem_shared>>) offsets(%dma_start3A_134 : memref<125xi32, #tpu.memory_space<vmem>>) semaphore(%dma_start3A_139 : memref<!tpu.dma_semaphore, #tpu.memory_space<semaphore_mem>>) {add = true}
      %dma_wait3A_140 = arith.constant 0 : i32
      %dma_wait3A_141 = arith.constant 0 : i32
      %dma_wait3A_142 = arith.constant 0 : i32
      %dma_wait3A_143 = arith.constant 0 : i32
      %dma_wait3A_144 = arith.constant 0 : i32
      %dma_wait3A_145 = tpu.memref_slice %arg6[%dma_wait3A_140, %dma_wait3A_143, %dma_wait3A_144] : memref<2x125x128xf32, #tpu.memory_space<vmem>> -> memref<1x125x128xf32, #tpu.memory_space<vmem>>
      %dma_wait3A_146 = tpu.memref_squeeze %dma_wait3A_145 : memref<1x125x128xf32, #tpu.memory_space<vmem>> -> memref<125x128xf32, #tpu.memory_space<vmem>>
      %dma_wait3A_147 = arith.constant 0 : i32
      %dma_wait3A_148 = tpu.memref_slice %arg7[%dma_wait3A_141, %dma_wait3A_147] : memref<14x125xi32, #tpu.memory_space<vmem>> -> memref<1x125xi32, #tpu.memory_space<vmem>>
      %dma_wait3A_149 = tpu.memref_squeeze %dma_wait3A_148 : memref<1x125xi32, #tpu.memory_space<vmem>> -> memref<125xi32, #tpu.memory_space<vmem>>
      %dma_wait3A_150 = arith.constant 0 : i32
      %dma_wait3A_151 = arith.constant 0 : i32
      %dma_wait3A_152 = tpu.memref_slice %arg5[%dma_wait3A_150, %dma_wait3A_151] : memref<512x128xf32, #tpu.memory_space<vmem_shared>> -> memref<512x128xf32, #tpu.memory_space<vmem_shared>>
      %dma_wait3A_153 = tpu.memref_slice %arg10[%dma_wait3A_142] : memref<2x!tpu.dma_semaphore, #tpu.memory_space<semaphore_mem>> -> memref<1x!tpu.dma_semaphore, #tpu.memory_space<semaphore_mem>>
      %dma_wait3A_154 = tpu.memref_squeeze %dma_wait3A_153 : memref<1x!tpu.dma_semaphore, #tpu.memory_space<semaphore_mem>> -> memref<!tpu.dma_semaphore, #tpu.memory_space<semaphore_mem>>
      tpu.wait_indirect_dma semaphore(%dma_wait3A_154 : memref<!tpu.dma_semaphore, #tpu.memory_space<semaphore_mem>>) src(%dma_wait3A_146 : memref<125x128xf32, #tpu.memory_space<vmem>>) dst(%dma_wait3A_152 : memref<512x128xf32, #tpu.memory_space<vmem_shared>>)
      %add3A_155 = arith.constant 2 : i32
      %add3A_156 = arith.addi %mul3A_75, %add3A_155 : i32
      %add3A_157 = arith.constant 0 : i32
      %add3A_158 = arith.addi %add3A_156, %add3A_157 : i32
      %lt3A = arith.constant 14 : i32
      %lt3A_159 = arith.cmpi slt, %add3A_158, %lt3A : i32
      %convert_element_type3A = arith.extui %lt3A_159 : i1 to i32
      %cond3A = arith.constant 0 : i32
      %cond3A_160 = arith.cmpi ne, %convert_element_type3A, %cond3A : i32
      scf.if %cond3A_160 {
        %add3A_185 = arith.constant 2 : i32
        %add3A_186 = arith.addi %mul3A_75, %add3A_185 : i32
        %add3A_187 = arith.constant 0 : i32
        %add3A_188 = arith.addi %add3A_186, %add3A_187 : i32
        %mul3A_189 = arith.constant 125 : i32
        %mul3A_190 = arith.muli %add3A_188, %mul3A_189 : i32
        %add3A_191 = arith.addi %mul3A_2, %mul3A_190 : i32
        %dma_start3A_192 = arith.constant 0 : i32
        %dma_start3A_193 = arith.constant 0 : i32
        %dma_start3A_194 = arith.constant 0 : i32
        %dma_start3A_195 = arith.constant 0 : i32
        %dma_start3A_196 = tpu.memref_slice %arg6[%dma_start3A_192, %dma_start3A_194, %dma_start3A_195] : memref<2x125x128xf32, #tpu.memory_space<vmem>> -> memref<1x125x128xf32, #tpu.memory_space<vmem>>
        %dma_start3A_197 = tpu.memref_squeeze %dma_start3A_196 : memref<1x125x128xf32, #tpu.memory_space<vmem>> -> memref<125x128xf32, #tpu.memory_space<vmem>>
        %dma_start3A_198 = arith.constant 0 : i32
        %dma_start3A_199 = tpu.memref_slice %arg2[%add3A_191, %dma_start3A_198] : memref<100000x128xf32, #tpu.memory_space<hbm>> -> memref<125x128xf32, #tpu.memory_space<hbm>>
        %dma_start3A_200 = tpu.memref_slice %arg9[%dma_start3A_193] : memref<2x!tpu.dma_semaphore, #tpu.memory_space<semaphore_mem>> -> memref<1x!tpu.dma_semaphore, #tpu.memory_space<semaphore_mem>>
        %dma_start3A_201 = tpu.memref_squeeze %dma_start3A_200 : memref<1x!tpu.dma_semaphore, #tpu.memory_space<semaphore_mem>> -> memref<!tpu.dma_semaphore, #tpu.memory_space<semaphore_mem>>
        %dma_start3A_202 = arith.constant 0 : i32
        %dma_start3A_203 = arith.constant 0 : i32
        %dma_start3A_204 = tpu.memref_slice %arg6[%dma_start3A_192, %dma_start3A_202, %dma_start3A_203] : memref<2x125x128xf32, #tpu.memory_space<vmem>> -> memref<1x125x128xf32, #tpu.memory_space<vmem>>
        %dma_start3A_205 = tpu.memref_squeeze %dma_start3A_204 : memref<1x125x128xf32, #tpu.memory_space<vmem>> -> memref<125x128xf32, #tpu.memory_space<vmem>>
        %dma_start3A_206 = arith.constant 0 : i32
        %dma_start3A_207 = tpu.memref_slice %arg2[%add3A_191, %dma_start3A_206] : memref<100000x128xf32, #tpu.memory_space<hbm>> -> memref<125x128xf32, #tpu.memory_space<hbm>>
        tpu.enqueue_dma source(%dma_start3A_207 : memref<125x128xf32, #tpu.memory_space<hbm>>) target(%dma_start3A_205 : memref<125x128xf32, #tpu.memory_space<vmem>>) target_semaphore(%dma_start3A_201 : memref<!tpu.dma_semaphore, #tpu.memory_space<semaphore_mem>>)
      } else {
      }
      %dma_wait3A_161 = arith.constant 1 : i32
      %dma_wait3A_162 = arith.constant 0 : i32
      %dma_wait3A_163 = arith.constant 1 : i32
      %dma_wait3A_164 = arith.constant 0 : i32
      %dma_wait3A_165 = arith.constant 0 : i32
      %dma_wait3A_166 = tpu.memref_slice %arg6[%dma_wait3A_161, %dma_wait3A_164, %dma_wait3A_165] : memref<2x125x128xf32, #tpu.memory_space<vmem>> -> memref<1x125x128xf32, #tpu.memory_space<vmem>>
      %dma_wait3A_167 = tpu.memref_squeeze %dma_wait3A_166 : memref<1x125x128xf32, #tpu.memory_space<vmem>> -> memref<125x128xf32, #tpu.memory_space<vmem>>
      %dma_wait3A_168 = arith.constant 0 : i32
      %dma_wait3A_169 = tpu.memref_slice %arg7[%dma_wait3A_162, %dma_wait3A_168] : memref<14x125xi32, #tpu.memory_space<vmem>> -> memref<1x125xi32, #tpu.memory_space<vmem>>
      %dma_wait3A_170 = tpu.memref_squeeze %dma_wait3A_169 : memref<1x125xi32, #tpu.memory_space<vmem>> -> memref<125xi32, #tpu.memory_space<vmem>>
      %dma_wait3A_171 = arith.constant 0 : i32
      %dma_wait3A_172 = arith.constant 0 : i32
      %dma_wait3A_173 = tpu.memref_slice %arg5[%dma_wait3A_171, %dma_wait3A_172] : memref<512x128xf32, #tpu.memory_space<vmem_shared>> -> memref<512x128xf32, #tpu.memory_space<vmem_shared>>
      %dma_wait3A_174 = tpu.memref_slice %arg10[%dma_wait3A_163] : memref<2x!tpu.dma_semaphore, #tpu.memory_space<semaphore_mem>> -> memref<1x!tpu.dma_semaphore, #tpu.memory_space<semaphore_mem>>
      %dma_wait3A_175 = tpu.memref_squeeze %dma_wait3A_174 : memref<1x!tpu.dma_semaphore, #tpu.memory_space<semaphore_mem>> -> memref<!tpu.dma_semaphore, #tpu.memory_space<semaphore_mem>>
      tpu.wait_indirect_dma semaphore(%dma_wait3A_175 : memref<!tpu.dma_semaphore, #tpu.memory_space<semaphore_mem>>) src(%dma_wait3A_167 : memref<125x128xf32, #tpu.memory_space<vmem>>) dst(%dma_wait3A_173 : memref<512x128xf32, #tpu.memory_space<vmem_shared>>)
      %add3A_176 = arith.constant 2 : i32
      %add3A_177 = arith.addi %mul3A_75, %add3A_176 : i32
      %add3A_178 = arith.constant 1 : i32
      %add3A_179 = arith.addi %add3A_177, %add3A_178 : i32
      %lt3A_180 = arith.constant 14 : i32
      %lt3A_181 = arith.cmpi slt, %add3A_179, %lt3A_180 : i32
      %convert_element_type3A_182 = arith.extui %lt3A_181 : i1 to i32
      %cond3A_183 = arith.constant 0 : i32
      %cond3A_184 = arith.cmpi ne, %convert_element_type3A_182, %cond3A_183 : i32
      scf.if %cond3A_184 {
        %add3A_185 = arith.constant 2 : i32
        %add3A_186 = arith.addi %mul3A_75, %add3A_185 : i32
        %add3A_187 = arith.constant 1 : i32
        %add3A_188 = arith.addi %add3A_186, %add3A_187 : i32
        %mul3A_189 = arith.constant 125 : i32
        %mul3A_190 = arith.muli %add3A_188, %mul3A_189 : i32
        %add3A_191 = arith.addi %mul3A_2, %mul3A_190 : i32
        %dma_start3A_192 = arith.constant 1 : i32
        %dma_start3A_193 = arith.constant 1 : i32
        %dma_start3A_194 = arith.constant 0 : i32
        %dma_start3A_195 = arith.constant 0 : i32
        %dma_start3A_196 = tpu.memref_slice %arg6[%dma_start3A_192, %dma_start3A_194, %dma_start3A_195] : memref<2x125x128xf32, #tpu.memory_space<vmem>> -> memref<1x125x128xf32, #tpu.memory_space<vmem>>
        %dma_start3A_197 = tpu.memref_squeeze %dma_start3A_196 : memref<1x125x128xf32, #tpu.memory_space<vmem>> -> memref<125x128xf32, #tpu.memory_space<vmem>>
        %dma_start3A_198 = arith.constant 0 : i32
        %dma_start3A_199 = tpu.memref_slice %arg2[%add3A_191, %dma_start3A_198] : memref<100000x128xf32, #tpu.memory_space<hbm>> -> memref<125x128xf32, #tpu.memory_space<hbm>>
        %dma_start3A_200 = tpu.memref_slice %arg9[%dma_start3A_193] : memref<2x!tpu.dma_semaphore, #tpu.memory_space<semaphore_mem>> -> memref<1x!tpu.dma_semaphore, #tpu.memory_space<semaphore_mem>>
        %dma_start3A_201 = tpu.memref_squeeze %dma_start3A_200 : memref<1x!tpu.dma_semaphore, #tpu.memory_space<semaphore_mem>> -> memref<!tpu.dma_semaphore, #tpu.memory_space<semaphore_mem>>
        %dma_start3A_202 = arith.constant 0 : i32
        %dma_start3A_203 = arith.constant 0 : i32
        %dma_start3A_204 = tpu.memref_slice %arg6[%dma_start3A_192, %dma_start3A_202, %dma_start3A_203] : memref<2x125x128xf32, #tpu.memory_space<vmem>> -> memref<1x125x128xf32, #tpu.memory_space<vmem>>
        %dma_start3A_205 = tpu.memref_squeeze %dma_start3A_204 : memref<1x125x128xf32, #tpu.memory_space<vmem>> -> memref<125x128xf32, #tpu.memory_space<vmem>>
        %dma_start3A_206 = arith.constant 0 : i32
        %dma_start3A_207 = tpu.memref_slice %arg2[%add3A_191, %dma_start3A_206] : memref<100000x128xf32, #tpu.memory_space<hbm>> -> memref<125x128xf32, #tpu.memory_space<hbm>>
        tpu.enqueue_dma source(%dma_start3A_207 : memref<125x128xf32, #tpu.memory_space<hbm>>) target(%dma_start3A_205 : memref<125x128xf32, #tpu.memory_space<vmem>>) target_semaphore(%dma_start3A_201 : memref<!tpu.dma_semaphore, #tpu.memory_space<semaphore_mem>>)
      } else {
      }
    }
    %scan3A_63 = arith.constant 7 : i32
    %barrier3A_64 = arith.constant 0 : index
    tpu.barrier barrier_id(%barrier3A_64)
    %mul3A_65 = arith.constant 32 : i32
    %mul3A_66 = arith.muli %arg1, %mul3A_65 : i32
    %mul3A_67 = arith.constant 32 : i32
    %mul3A_68 = arith.muli %arg1, %mul3A_67 : i32
    "tpu.region"() ({
      %run_scoped3A = tpu.sem_alloc : memref<!tpu.dma_semaphore, #tpu.memory_space<semaphore_mem>>
      %dma_start3A_69 = arith.constant 0 : i32
      %dma_start3A_70 = tpu.memref_slice %arg4[%arg0, %mul3A_68, %dma_start3A_69] : memref<2x512x128xf32, #tpu.memory_space<hbm>> -> memref<1x32x128xf32, #tpu.memory_space<hbm>>
      %dma_start3A_71 = tpu.memref_squeeze %dma_start3A_70 : memref<1x32x128xf32, #tpu.memory_space<hbm>> -> memref<32x128xf32, #tpu.memory_space<hbm>>
      %dma_start3A_72 = arith.constant 0 : i32
      %dma_start3A_73 = tpu.memref_slice %arg5[%mul3A_66, %dma_start3A_72] : memref<512x128xf32, #tpu.memory_space<vmem_shared>> -> memref<32x128xf32, #tpu.memory_space<vmem_shared>>
      tpu.enqueue_dma source(%dma_start3A_73 : memref<32x128xf32, #tpu.memory_space<vmem_shared>>) target(%dma_start3A_71 : memref<32x128xf32, #tpu.memory_space<hbm>>) target_semaphore(%run_scoped3A : memref<!tpu.dma_semaphore, #tpu.memory_space<semaphore_mem>>)
      %dma_wait3A_74 = arith.constant 0 : i32
      %dma_wait3A_75 = tpu.memref_slice %arg4[%arg0, %mul3A_68, %dma_wait3A_74] : memref<2x512x128xf32, #tpu.memory_space<hbm>> -> memref<1x32x128xf32, #tpu.memory_space<hbm>>
      %dma_wait3A_76 = tpu.memref_squeeze %dma_wait3A_75 : memref<1x32x128xf32, #tpu.memory_space<hbm>> -> memref<32x128xf32, #tpu.memory_space<hbm>>
      %dma_wait3A_77 = arith.constant 0 : i32
      %dma_wait3A_78 = tpu.memref_slice %arg5[%mul3A_66, %dma_wait3A_77] : memref<512x128xf32, #tpu.memory_space<vmem_shared>> -> memref<32x128xf32, #tpu.memory_space<vmem_shared>>
      tpu.wait_dma2 semaphore(%run_scoped3A : memref<!tpu.dma_semaphore, #tpu.memory_space<semaphore_mem>>) src(%dma_wait3A_78 : memref<32x128xf32, #tpu.memory_space<vmem_shared>>) dst(%dma_wait3A_76 : memref<32x128xf32, #tpu.memory_space<hbm>>)
      tpu.yield
    }) : () -> ()
    return
  }
}

module attributes {stable_mosaic.version = 14 : i64} {
  func.func @_combine_body(%arg0: memref<2x512x128xf32, #tpu.memory_space<vmem>>, %arg1: memref<512x128xf32, #tpu.memory_space<vmem>>, %arg2: memref<512x128xf32, #tpu.memory_space<vmem>>, %arg3: memref<256x128xf32, #tpu.memory_space<vmem>>, %arg4: memref<128xf32, #tpu.memory_space<vmem>>, %arg5: memref<512x128xf32, #tpu.memory_space<vmem>>) attributes {dimension_semantics = [], scalar_prefetch = 0 : i64, scratch_operands = 0 : i64, tpu.core_type = #tpu.core_type<tc>} {
    %get3A = arith.constant 0 : index
    %get3A_0 = arith.constant 0 : index
    %get3A_1 = arith.constant 0 : index
    %get3A_2 = vector.load %arg0[%get3A, %get3A_0, %get3A_1] : memref<2x512x128xf32, #tpu.memory_space<vmem>>, vector<1x512x128xf32>
    %get3A_3 = vector.shape_cast %get3A_2 : vector<1x512x128xf32> to vector<512x128xf32>
    %get3A_4 = arith.constant 1 : index
    %get3A_5 = arith.constant 0 : index
    %get3A_6 = arith.constant 0 : index
    %get3A_7 = vector.load %arg0[%get3A_4, %get3A_5, %get3A_6] : memref<2x512x128xf32, #tpu.memory_space<vmem>>, vector<1x512x128xf32>
    %get3A_8 = vector.shape_cast %get3A_7 : vector<1x512x128xf32> to vector<512x128xf32>
    %add3A = arith.addf %get3A_3, %get3A_8 : vector<512x128xf32>
    %get3A_9 = arith.constant 0 : index
    %get3A_10 = arith.constant 0 : index
    %get3A_11 = vector.load %arg1[%get3A_9, %get3A_10] : memref<512x128xf32, #tpu.memory_space<vmem>>, vector<512x128xf32>
    %add3A_12 = arith.addf %add3A, %get3A_11 : vector<512x128xf32>
    %get3A_13 = arith.constant 0 : index
    %get3A_14 = arith.constant 0 : index
    %get3A_15 = vector.load %arg3[%get3A_13, %get3A_14] : memref<256x128xf32, #tpu.memory_space<vmem>>, vector<128x128xf32>
    %get3A_16 = arith.constant 128 : index
    %get3A_17 = arith.constant 0 : index
    %get3A_18 = vector.load %arg3[%get3A_16, %get3A_17] : memref<256x128xf32, #tpu.memory_space<vmem>>, vector<128x128xf32>
    %dot_general3A = arith.constant dense<0.000000e+00> : vector<512x128xf32>
    %dot_general3A_19 = tpu.matmul %add3A_12, %get3A_15, %dot_general3A {dimension_numbers = #tpu.dot_dimension_numbers<[1], [0], [0], [1], [0, 0, 1, 1], [], []>, transpose_lhs_hint = false} : vector<512x128xf32>, vector<128x128xf32>, vector<512x128xf32> -> vector<512x128xf32>
    %get3A_20 = arith.constant 0 : index
    %get3A_21 = arith.constant 0 : index
    %get3A_22 = vector.load %arg2[%get3A_20, %get3A_21] : memref<512x128xf32, #tpu.memory_space<vmem>>, vector<512x128xf32>
    %dot_general3A_23 = arith.constant dense<0.000000e+00> : vector<512x128xf32>
    %dot_general3A_24 = tpu.matmul %get3A_22, %get3A_18, %dot_general3A_23 {dimension_numbers = #tpu.dot_dimension_numbers<[1], [0], [0], [1], [0, 0, 1, 1], [], []>, transpose_lhs_hint = false} : vector<512x128xf32>, vector<128x128xf32>, vector<512x128xf32> -> vector<512x128xf32>
    %add3A_25 = arith.addf %dot_general3A_19, %dot_general3A_24 : vector<512x128xf32>
    %get3A_26 = arith.constant 0 : index
    %get3A_27 = vector.load %arg4[%get3A_26] : memref<128xf32, #tpu.memory_space<vmem>>, vector<128xf32>
    %broadcast_in_dim3A = vector.shape_cast %get3A_27 : vector<128xf32> to vector<1x128xf32>
    %add3A_28 = vector.broadcast %broadcast_in_dim3A : vector<1x128xf32> to vector<512x128xf32>
    %add3A_29 = arith.addf %add3A_25, %add3A_28 : vector<512x128xf32>
    %swap3A = arith.constant 0 : index
    %swap3A_30 = arith.constant 0 : index
    %swap3A_31 = vector.load %arg5[%swap3A, %swap3A_30] : memref<512x128xf32, #tpu.memory_space<vmem>>, vector<512x128xf32>
    tpu.vector_store %arg5[%swap3A, %swap3A_30], %add3A_29 {strides = array<i32>} : memref<512x128xf32, #tpu.memory_space<vmem>>, vector<512x128xf32>,
    return
  }
}

module attributes {stable_mosaic.version = 14 : i64} {
  func.func @_tc_onehot_body(%arg0: i32, %arg1: memref<50xi32, #tpu.memory_space<smem>>, %arg2: memref<50xi32, #tpu.memory_space<smem>>, %arg3: memref<1x1x2000xi32, #tpu.memory_space<vmem>>, %arg4: memref<2000x128xf32, #tpu.memory_space<vmem>>, %arg5: memref<512x128xf32, #tpu.memory_space<vmem>>, %arg6: memref<1024x128xf32, #tpu.memory_space<vmem>>) attributes {dimension_semantics = [#tpu.dimension_semantics<arbitrary>], iteration_bounds = array<i64: 22>, scalar_prefetch = 2 : i64, scratch_operands = 1 : i64, tpu.core_type = #tpu.core_type<tc>, window_params = [{transform_indices = @transform_0, window_bounds = array<i64: 1, 1, 2000>}, {transform_indices = @transform_1, window_bounds = array<i64: 2000, 128>}, {pipeline_mode = #tpu.pipeline_mode<synchronous>, transform_indices = @transform_2, window_bounds = array<i64: 512, 128>}]} {
    %eq3A = arith.constant 0 : i32
    %eq3A_0 = arith.cmpi eq, %arg0, %eq3A : i32
    %convert_element_type3A = arith.extui %eq3A_0 : i1 to i32
    %cond3A = arith.constant 0 : i32
    %cond3A_1 = arith.cmpi ne, %convert_element_type3A, %cond3A : i32
    scf.if %cond3A_1 {
      %broadcast_in_dim3A_40 = arith.constant 0.000000e+00 : f32
      %broadcast_in_dim3A_41 = vector.broadcast %broadcast_in_dim3A_40 : f32 to vector<1024x128xf32>
      %swap3A_42 = arith.constant 0 : index
      %swap3A_43 = arith.constant 0 : index
      %swap3A_44 = vector.load %arg6[%swap3A_42, %swap3A_43] : memref<1024x128xf32, #tpu.memory_space<vmem>>, vector<1024x128xf32>
      tpu.vector_store %arg6[%swap3A_42, %swap3A_43], %broadcast_in_dim3A_41 {strides = array<i32>} : memref<1024x128xf32, #tpu.memory_space<vmem>>, vector<1024x128xf32>,
    } else {
    }
    %add3A = arith.constant 28 : i32
    %add3A_2 = arith.addi %arg0, %add3A : i32
    %get3A = arith.index_cast %add3A_2 : i32 to index
    %get3A_3 = memref.load %arg1[%get3A] : memref<50xi32, #tpu.memory_space<smem>>
    %multiple_of3A = tpu.assume_multiple %get3A_3, 8 : i32
    %get3A_4 = arith.constant 0 : index
    %get3A_5 = arith.constant 0 : index
    %get3A_6 = arith.constant 0 : index
    %get3A_7 = vector.load %arg3[%get3A_4, %get3A_5, %get3A_6] : memref<1x1x2000xi32, #tpu.memory_space<vmem>>, vector<1x1x2000xi32>
    %get3A_8 = vector.shape_cast %get3A_7 : vector<1x1x2000xi32> to vector<2000xi32>
    %sub3A = vector.broadcast %multiple_of3A : i32 to vector<2000xi32>
    %sub3A_9 = arith.subi %get3A_8, %sub3A : vector<2000xi32>
    %get3A_10 = arith.constant 0 : index
    %get3A_11 = arith.constant 0 : index
    %get3A_12 = vector.load %arg4[%get3A_10, %get3A_11] : memref<2000x128xf32, #tpu.memory_space<vmem>>, vector<2000x128xf32>
    %convert_element_type3A_13 = arith.truncf %get3A_12 : vector<2000x128xf32> to vector<2000x128xbf16>
    %iota3A = tpu.iota {dimensions = array<i32: 0>} : vector<256x2000xi32>
    %broadcast_in_dim3A = vector.shape_cast %sub3A_9 : vector<2000xi32> to vector<1x2000xi32>
    %eq3A_14 = vector.broadcast %broadcast_in_dim3A : vector<1x2000xi32> to vector<256x2000xi32>
    %eq3A_15 = arith.cmpi eq, %iota3A, %eq3A_14 : vector<256x2000xi32>
    %convert_element_type3A_16 = arith.extui %eq3A_15 : vector<256x2000xi1> to vector<256x2000xi32>
    %convert_element_type3A_17 = arith.sitofp %convert_element_type3A_16 : vector<256x2000xi32> to vector<256x2000xf32>
    %convert_element_type3A_18 = arith.truncf %convert_element_type3A_17 : vector<256x2000xf32> to vector<256x2000xbf16>
    %get3A_19 = arith.index_cast %multiple_of3A : i32 to index
    %get3A_20 = arith.constant 0 : index
    %get3A_21 = vector.load %arg6[%get3A_19, %get3A_20] : memref<1024x128xf32, #tpu.memory_space<vmem>>, vector<256x128xf32>
    %dot_general3A = arith.constant dense<0.000000e+00> : vector<256x128xf32>
    %dot_general3A_22 = tpu.matmul %convert_element_type3A_18, %convert_element_type3A_13, %dot_general3A {dimension_numbers = #tpu.dot_dimension_numbers<[1], [0], [0], [1], [0, 0, 1, 1], [], []>, transpose_lhs_hint = false} : vector<256x2000xbf16>, vector<2000x128xbf16>, vector<256x128xf32> -> vector<256x128xf32>
    %add3A_23 = arith.addf %get3A_21, %dot_general3A_22 : vector<256x128xf32>
    %swap3A = arith.index_cast %multiple_of3A : i32 to index
    %swap3A_24 = arith.constant 0 : index
    %swap3A_25 = vector.load %arg6[%swap3A, %swap3A_24] : memref<1024x128xf32, #tpu.memory_space<vmem>>, vector<256x128xf32>
    tpu.vector_store %arg6[%swap3A, %swap3A_24], %add3A_23 {strides = array<i32>} : memref<1024x128xf32, #tpu.memory_space<vmem>>, vector<256x128xf32>,
    %add3A_26 = arith.constant 28 : i32
    %add3A_27 = arith.addi %arg0, %add3A_26 : i32
    %get3A_28 = arith.index_cast %add3A_27 : i32 to index
    %get3A_29 = memref.load %arg2[%get3A_28] : memref<50xi32, #tpu.memory_space<smem>>
    %eq3A_30 = arith.constant 1 : i32
    %eq3A_31 = arith.cmpi eq, %get3A_29, %eq3A_30 : i32
    %convert_element_type3A_32 = arith.extui %eq3A_31 : i1 to i32
    %cond3A_33 = arith.constant 0 : i32
    %cond3A_34 = arith.cmpi ne, %convert_element_type3A_32, %cond3A_33 : i32
    scf.if %cond3A_34 {
      %add3A_40 = arith.constant 256 : i32
      %add3A_41 = vector.broadcast %add3A_40 : i32 to vector<256x2000xi32>
      %add3A_42 = arith.addi %iota3A, %add3A_41 : vector<256x2000xi32>
      %broadcast_in_dim3A_43 = vector.shape_cast %sub3A_9 : vector<2000xi32> to vector<1x2000xi32>
      %eq3A_44 = vector.broadcast %broadcast_in_dim3A_43 : vector<1x2000xi32> to vector<256x2000xi32>
      %eq3A_45 = arith.cmpi eq, %add3A_42, %eq3A_44 : vector<256x2000xi32>
      %convert_element_type3A_46 = arith.extui %eq3A_45 : vector<256x2000xi1> to vector<256x2000xi32>
      %convert_element_type3A_47 = arith.sitofp %convert_element_type3A_46 : vector<256x2000xi32> to vector<256x2000xf32>
      %convert_element_type3A_48 = arith.truncf %convert_element_type3A_47 : vector<256x2000xf32> to vector<256x2000xbf16>
      %add3A_49 = arith.constant 256 : i32
      %add3A_50 = arith.addi %multiple_of3A, %add3A_49 : i32
      %get3A_51 = arith.index_cast %add3A_50 : i32 to index
      %get3A_52 = arith.constant 0 : index
      %get3A_53 = vector.load %arg6[%get3A_51, %get3A_52] : memref<1024x128xf32, #tpu.memory_space<vmem>>, vector<256x128xf32>
      %dot_general3A_54 = arith.constant dense<0.000000e+00> : vector<256x128xf32>
      %dot_general3A_55 = tpu.matmul %convert_element_type3A_48, %convert_element_type3A_13, %dot_general3A_54 {dimension_numbers = #tpu.dot_dimension_numbers<[1], [0], [0], [1], [0, 0, 1, 1], [], []>, transpose_lhs_hint = false} : vector<256x2000xbf16>, vector<2000x128xbf16>, vector<256x128xf32> -> vector<256x128xf32>
      %add3A_56 = arith.addf %get3A_53, %dot_general3A_55 : vector<256x128xf32>
      %swap3A_57 = arith.index_cast %add3A_50 : i32 to index
      %swap3A_58 = arith.constant 0 : index
      %swap3A_59 = vector.load %arg6[%swap3A_57, %swap3A_58] : memref<1024x128xf32, #tpu.memory_space<vmem>>, vector<256x128xf32>
      tpu.vector_store %arg6[%swap3A_57, %swap3A_58], %add3A_56 {strides = array<i32>} : memref<1024x128xf32, #tpu.memory_space<vmem>>, vector<256x128xf32>,
    } else {
    }
    %eq3A_35 = arith.constant 21 : i32
    %eq3A_36 = arith.cmpi eq, %arg0, %eq3A_35 : i32
    %convert_element_type3A_37 = arith.extui %eq3A_36 : i1 to i32
    %cond3A_38 = arith.constant 0 : i32
    %cond3A_39 = arith.cmpi ne, %convert_element_type3A_37, %cond3A_38 : i32
    scf.if %cond3A_39 {
      %get3A_40 = arith.constant 0 : index
      %get3A_41 = arith.constant 0 : index
      %get3A_42 = vector.load %arg6[%get3A_40, %get3A_41] : memref<1024x128xf32, #tpu.memory_space<vmem>>, vector<512x128xf32>
      %swap3A_43 = arith.constant 0 : index
      %swap3A_44 = arith.constant 0 : index
      %swap3A_45 = vector.load %arg5[%swap3A_43, %swap3A_44] : memref<512x128xf32, #tpu.memory_space<vmem>>, vector<512x128xf32>
      tpu.vector_store %arg5[%swap3A_43, %swap3A_44], %get3A_42 {strides = array<i32>} : memref<512x128xf32, #tpu.memory_space<vmem>>, vector<512x128xf32>,
    } else {
    }
    return
  }
  func.func @transform_0(%arg0: i32, %arg1: memref<50xi32, #tpu.memory_space<smem>>, %arg2: memref<50xi32, #tpu.memory_space<smem>>) -> (i32, i32, i32) {
    %add3A = arith.constant 28 : i32
    %add3A_0 = arith.addi %arg0, %add3A : i32
    %c0_i32 = arith.constant 0 : i32
    %c0_i32_1 = arith.constant 0 : i32
    %c0_i32_2 = arith.constant 0 : i32
    return %add3A_0, %c0_i32, %c0_i32_1 : i32, i32, i32
  }
  func.func @transform_1(%arg0: i32, %arg1: memref<50xi32, #tpu.memory_space<smem>>, %arg2: memref<50xi32, #tpu.memory_space<smem>>) -> (i32, i32) {
    %add3A = arith.constant 28 : i32
    %add3A_0 = arith.addi %arg0, %add3A : i32
    %c0_i32 = arith.constant 0 : i32
    %c0_i32_1 = arith.constant 0 : i32
    return %add3A_0, %c0_i32 : i32, i32
  }
  func.func @transform_2(%arg0: i32, %arg1: memref<50xi32, #tpu.memory_space<smem>>, %arg2: memref<50xi32, #tpu.memory_space<smem>>) -> (i32, i32) {
    %c0_i32 = arith.constant 0 : i32
    %c0_i32_0 = arith.constant 0 : i32
    %c0_i32_1 = arith.constant 0 : i32
    return %c0_i32, %c0_i32_0 : i32, i32
  }
}

</mosaic_0001>

<sc_bundles>
// kernel: kernel.5.cloned.1.call-start
scs
__scs_entry_jumppad:
0x0: {  	(pc) =	sbr.rel $0x88, $3  }
0x1: {  	(tag) =	ssettag $0x0;
	lr =	simm.s32 $0x1  }
0x2: {  	[smem:$0x3F9C] =	sst lr;
	_ =	strace $0xD0000000  }
0x3: {  	_ = 	snop  }
0x4: {  	_ = 	snop  }
0x5: {  	_ = 	snop  }
0x6: {  	_ = 	snop  }
0x7: {  	_ = 	snop  }
__scs_overlays_trampoline_lowered:
0x8: {  	[smem:$0x3FAB] =	sst s0  }
0x9: {  	[smem:$0x3FAC] =	sst s1  }
0xa: {  	[smem:$0x3FAD] =	sst s2  }
0xb: {  	[smem:$0x3FAE] =	sst s3  }
0xc: {  	[smem:$0x3FAF] =	sst s4  }
0xd: {  	[smem:$0x3FB0] =	sst s5  }
0xe: {  	[smem:$0x3FB1] =	sst s6  }
0xf: {  	[smem:$0x3FB2] =	sst s7  }
0x10: {  	[smem:$0x3FB3] =	sst s8  }
0x11: {  	[smem:$0x3FB4] =	sst s9;
	s0 =	simm.s32 @!p0 $0x0  }
0x12: {  	s1 =	sld [smem:$0x3F9A];
	s0 =	simm.s32 @p0 $0x1  }
0x13: {  	[smem:$0x3FB5] =	sst s0;
	s0 =	simm.s32 @!p1 $0x0  }
0x14: {  	s2 =	sld [smem:$0x3F99];
	s0 =	simm.s32 @p1 $0x1  }
0x15: {  	[smem:$0x3FB6] =	sst s0;
	s0 =	simm.s32 @!p2 $0x0  }
0x16: {  	s3 =	sld [smem:$0x3FDB];
	s0 =	simm.s32 @p2 $0x1  }
0x17: {  	s4 =	simm.s32 $0x1BF5;
	[smem:$0x3FB8] =	sst s0  }
0x18: {  	s0 =	sld [smem:$0x3F9B];
	_ =	swait.ge [sflag:s4], $0x0  }
0x19: {  	s7 =	sld [smem:$0x3F9C]  }
0x1a: {  	s8 =	sadd.s32 $0xFFFFE003, lr  }
0x1b: {  	s9 =	sadd.s32 $0xFFFFFEF7, lr;
	s5 =	simm.s32 $0xFFFFFFFF;
	p2 =	slt.u32 s8, $0xFFFFF086  }
0x1c: {  	p1 =	slt.u32 s9, $0xF7A;
	s5 =	simm.s32 @!p2 $0x0  }
0x1d: {  	s5 =	simm.s32 @p1 $0x1;
	p0 =	seq.s32 s7, s2  }
0x1e: {  	s7 =	smul.u32 @!p0 $0xF7A, s2;
	p2 =	seq.s32 @!p0 s5, $0x0  }
0x1f: {  	s9 =	smul.u32 $0xF7A, s1;
	s8 =	simm.s32 @!p0 $0x1BF5;
	p2 =	por !p2, p0  }
0x20: {  	[sflag:s8] =	ssyncset.s32 @!p0 $0xFFFFF086;
	s6 =	sadd.s32 @!p0 s3, s7;
	s7 =	simm.s32 @!p0 $0x108  }
0x21: {  	s3 =	sadd.s32 s3, s9;
	s6 =	sadd.s32 @!p0 $0x88, s6;
	s7 =	simm.s32 @p2 $0x1082  }
0x22: {  	[simem:s7], [sflag:s8] =	dma.local @!p0 [hbm:s6], $0xF7A  }
0x23: {  	s9 =	sor.u32 $0xD0000000, s2;
	s6 =	simm.s32 $0x108;
	_ =	swait.ge @!p0 [sflag:s8], $0x0  }
0x24: {  	s3 =	sadd.s32 $0x88, s3;
	s6 =	simm.s32 @!p1 $0x1082;
	[sflag:s4] =	ssyncset.s32 $0xFFFFF086  }
0x25: {  	[simem:s6], [sflag:s4] =	dma.local [hbm:s3], $0xF7A  }
0x26: {  	[smem:$0x3F9C] =	sst s1;
	(tag) =	ssettag s2;
	_ =	strace s9  }
0x27: {  	s1 =	sld [smem:$0x3FAC]  }
0x28: {  	s2 =	sld [smem:$0x3FAD]  }
0x29: {  	s4 =	sld [smem:$0x3FAF]  }
0x2a: {  	p0 =	seq.s32 s5, $0x0;
	s5 =	sld [smem:$0x3FB0]  }
0x2b: {  	s6 =	sld [smem:$0x3FB1]  }
0x2c: {  	s7 =	sld [smem:$0x3FB2]  }
0x2d: {  	s3 =	simm.s32 $0x108;
	s8 =	sld [smem:$0x3FB3]  }
0x2e: {  	s3 =	simm.s32 @!p0 $0x1082;
	s9 =	sld [smem:$0x3FB4]  }
0x2f: {  	lr =	sadd.s32 s0, s3;
	s0 =	sld [smem:$0x3FAB]  }
0x30: {  	s3 =	sld [smem:$0x3FAE]  }
0x31: {  	[smem:$0x3FB7] =	sst s10  }
0x32: {  	s10 =	sld [smem:$0x3FB5];
	_ =	sdelay $0x3  }
0x33: {  	p0 =	seq.s32 s10, $0x1;
	s10 =	sld [smem:$0x3FB7];
	_ =	sdelay $0x3  }
0x34: {  	[smem:$0x3FB7] =	sst s10  }
0x35: {  	s10 =	sld [smem:$0x3FB6];
	_ =	sdelay $0x3  }
0x36: {  	p1 =	seq.s32 s10, $0x1;
	s10 =	sld [smem:$0x3FB7];
	_ =	sdelay $0x3  }
0x37: {  	[smem:$0x3FB7] =	sst s10  }
0x38: {  	s10 =	sld [smem:$0x3FB8]  }
0x39: {  	_ = 	snop;
	(pc) =	sbr.ind lr, $3  }
0x3a: {  	_ = 	snop  }
0x3b: {  	_ = 	snop  }
0x3c: {  	p2 =	seq.s32 s10, $0x1;
	s10 =	sld [smem:$0x3FB7]  }
0x3d: {  	_ =	shalt  }
0x3e: {  	_ =	shalt  }
0x3f: {  	_ =	shalt  }
0x40: {  	_ =	shalt  }
0x41: {  	_ =	shalt  }
0x42: {  	_ =	shalt  }
0x43: {  	_ =	shalt  }
0x44: {  	_ =	shalt  }
0x45: {  	_ =	shalt  }
0x46: {  	_ =	shalt  }
0x47: {  	_ =	shalt  }
0x48: {  	_ =	shalt  }
0x49: {  	_ =	shalt  }
0x4a: {  	_ =	shalt  }
0x4b: {  	_ =	shalt  }
0x4c: {  	_ =	shalt  }
0x4d: {  	_ =	shalt  }
0x4e: {  	_ =	shalt  }
0x4f: {  	_ =	shalt  }
0x50: {  	_ =	shalt  }
0x51: {  	_ =	shalt  }
0x52: {  	_ =	shalt  }
0x53: {  	_ =	shalt  }
0x54: {  	_ =	shalt  }
0x55: {  	_ =	shalt  }
0x56: {  	_ =	shalt  }
0x57: {  	_ =	shalt  }
0x58: {  	_ =	shalt  }
0x59: {  	_ =	shalt  }
0x5a: {  	_ =	shalt  }
0x5b: {  	_ =	shalt  }
0x5c: {  	_ =	shalt  }
0x5d: {  	_ =	shalt  }
0x5e: {  	_ =	shalt  }
0x5f: {  	_ =	shalt  }
0x60: {  	_ =	shalt  }
0x61: {  	_ =	shalt  }
0x62: {  	_ =	shalt  }
0x63: {  	_ =	shalt  }
0x64: {  	_ =	shalt  }
0x65: {  	_ =	shalt  }
0x66: {  	_ =	shalt  }
0x67: {  	_ =	shalt  }
0x68: {  	_ =	shalt  }
0x69: {  	_ =	shalt  }
0x6a: {  	_ =	shalt  }
0x6b: {  	_ =	shalt  }
0x6c: {  	_ =	shalt  }
0x6d: {  	_ =	shalt  }
0x6e: {  	_ =	shalt  }
0x6f: {  	_ =	shalt  }
0x70: {  	_ =	shalt  }
0x71: {  	_ =	shalt  }
0x72: {  	_ =	shalt  }
0x73: {  	_ =	shalt  }
0x74: {  	_ =	shalt  }
0x75: {  	_ =	shalt  }
0x76: {  	_ =	shalt  }
0x77: {  	_ =	shalt  }
0x78: {  	_ =	shalt  }
0x79: {  	_ =	shalt  }
0x7a: {  	_ =	shalt  }
0x7b: {  	_ =	shalt  }
0x7c: {  	_ =	shalt  }
0x7d: {  	_ =	shalt  }
0x7e: {  	_ =	shalt  }
0x7f: {  	_ =	shalt  }
0x80: {  	_ =	shalt  }
0x81: {  	_ =	shalt  }
0x82: {  	_ =	shalt  }
0x83: {  	_ =	shalt  }
0x84: {  	_ =	shalt  }
0x85: {  	_ =	shalt  }
0x86: {  	_ =	shalt  }
0x87: {  	_ =	shalt  }
.Lfunc_end0:
.L_simem_size_0:
called_computation_lowered:
.L_overlay_start_0:
0x88: {  	s2 =	sld [smem:$0x3FD9]  }
0x89: {  	s3 =	sld [smem:$0x3FFE];
	_ =	sdelay $0x1  }
0x8a: {  	s1 =	srdreg.scid  }
0x8b: {  	s0 =	sand.u32 $0x1, s1  }
0x8c: {  	s17 =	sshll.u32 s0, $0xA;
	s2 =	sadd.s32 s3, s2  }
0x8d: {  	s2 =	sadd.s32 s2, s17  }
0x8e: {  	[smem:$0x3FC3] =	sst s2  }
0x8f: {  	_ = 	snop  }
0x90: {  	s2 =	sld [smem:$0x3FC9];
	(tm) =	ssettm $0x1  }
0x91: {  	s18 =	sld [smem:$0x3FFB];
	_ =	sdelay $0x3  }
0x92: {  	_ =	strace s18  }
0x93: {  	s3 =	sld [smem:$0x3FFC];
	_ =	sdelay $0x3  }
0x94: {  	_ =	strace s3  }
0x95: {  	s3 =	sld [smem:$0x3FFD];
	_ =	sdelay $0x3  }
0x96: {  	_ =	strace s3  }
0x97: {  	_ =	strace $0x8FFFFFFF  }
0x98: {  	s19 =	sld [smem:$0x3FDB];
	_ =	sdelay $0x1  }
0x99: {  	s4 =	simm.s32 $_scs_section_size  }
0x9a: {  	s5 =	simm.s32 $_size__tile_overlayer_lowered;
	s6 =	simm.s32 $_tile_overlayer_lowered  }
0x9b: {  	s22 =	simm.s32 $0x1BFF;
	s21 =	sshll.u32 s6, $0x1;
	s3 =	sadd.s32 s4, s19  }
0x9c: {  	s7 =	simm.s32 $0x0;
	s20 =	sshll.u32 s5, $0x1;
	s5 =	sadd.s32 s21, s3  }
0x9d: {  	[timem:s7], [sflag:s22] =	dma.local [hbm:s5], s20  }
0x9e: {  	_ =	swait.ge [sflag:s22], s20  }
0x9f: {  	s4 =	ssub.s32 $0x0, s20;
	[sflag:s22] =	ssyncset.done $0x0  }
0xa0: {  	[sflag:s22] =	ssyncadd.s32 s4;
	_ =	sdelay $0x1  }
0xa1: {  	s23 =	simm.s32 $0x1B8B  }
0xa2: {  	_ =	swait.ge [sflag:s23], $0x1  }
0xa3: {  	[sflag:s23] =	ssyncset.done $0x0  }
0xa4: {  	s25 =	simm.s32 $0x1B8E;
	s24 =	sld [smem:$0x3FFE];
	[sflag:s23] =	ssyncadd.s32 $0xFFFFFFFF  }
0xa5: {  	s26 =	simm.s32 $execute0_lowered;
	[smem:$0x3FD2] =	sst s25  }
0xa6: {  	s5 =	sshll.u32 s26, $0x1;
	_ =	strace $0x80000046;
	[dreg:$0x1] =	wrdreg $0xFFFFFFFF  }
0xa7: {  	s28 =	simm.s32 $_size_execute0_lowered;
	s3 =	sadd.s32 s3, s5;
	[dreg:$0x0] =	wrdreg $0x0  }
0xa8: {  	s5 =	sshll.u32 s28, $0x1;
	[dreg:$0x2] =	wrdreg s3  }
0xa9: {  	[dreg:$0x3] =	wrdreg s5  }
0xaa: {  	[dreg:$0x4] =	wrdreg $0xC0  }
0xab: {  	_ =	task [dreg:s7], $0x5FFFF  }
0xac: {  	[dreg:$0x1] =	wrdreg $0xFFFFFFFF  }
0xad: {  	[dreg:$0x0] =	wrdreg $0x60  }
0xae: {  	[dreg:$0x2] =	wrdreg s2  }
0xaf: {  	[dreg:$0x3] =	wrdreg s24  }
0xb0: {  	[dreg:$0x4] =	wrdreg $0x0  }
0xb1: {  	[dreg:$0x5] =	wrdreg $0x9  }
0xb2: {  	_ =	task.clear_ibuf [dreg:s7], $0x6FFFF;
	_ =	strace $0x90000046  }
0xb3: {  	s29 =	simm.s32 $0x9;
	_ =	strace $0x80000048  }
0xb4: {  	_ =	swait.ge [sflag:s29], $0x1  }
0xb5: {  	[sflag:s29] =	ssyncadd.s32 $0xFFFFFFFF  }
0xb6: {  	_ =	strace $0x90000048  }
0xb7: {  	_ =	sfence  }
0xb8: {  	s30 =	sld [smem:$0x0];
	_ =	sdelay $0x2  }
0xb9: {  	s31 =	sshll.u32 s1, $0xD;
	s1 =	sshrl.u32 s1, $0x2  }
0xba: {  	s3 =	sand.u32 $0x4000, s31;
	s1 =	sadd.s32 s1, s30  }
0xbb: {  	s0 =	sor.u32 s3, s0;
	s1 =	sshll.u32 s1, $0x11  }
0xbc: {  	s0 =	sor.u32 s1, s0  }
0xbd: {  	s0 =	sadd.s32 $0x8F2B, s0  }
0xbe: {  	[sflag:s0] =	ssyncadd.remote.s32 $0x1  }
0xbf: {  	_ =	sfence.sel $0xFFFF  }
0xc0: {  	[dreg:$0x0] =	wrdreg $0xFFFFFFFF;
	(pc) =	sbr.abs _section_cstart, $3  }
0xc1: {  	[dreg:$0x1] =	wrdreg $0xFFFFFFFF  }
0xc2: {  	_ =	task.clear_ibuf [dreg:s7], $0x2FFFF;
	_ =	strace $0x9FFFFFFF  }
0xc3: {  	(tm) =	ssettm $0x7FFFFFFF  }
tec
execute0_lowered:
.L_overlay_start_1:
0x0: {  	(tag) =	ssettag $0x1  }
0x1: {  	s10 =	rddreg [dreg:$0x0]  }
0x2: {  	s4 =	rddreg [dreg:$0x1]  }
0x3: {  	s1 =	rddreg [dreg:$0x2];
	s2 =	srdreg.scid  }
0x4: {  	s0 =	rddreg [dreg:$0x3];
	s3 =	simm.s32 $0x0;
	s15 =	simm.s32 $0x9400  }
0x5: {  	s16 =	simm.s32 $0x5;
	s17 =	simm.s32 $0x3;
	s18 =	simm.s32 $0x1  }
0x6: {  	s19 =	simm.s32 $0x7D;
	s20 =	simm.s32 $0x2;
	s21 =	simm.s32 $0x4  }
0x7: {  	s22 =	simm.s32 $0x9300;
	s23 =	simm.s32 $0x9380;
	s24 =	simm.s32 $0x0  }
0x8: {  	s5 =	sand.u32 $0x1, s2;
	s2 =	stileid.u32;
	[smem:$0x7FF] =	sst s3  }
0x9: {  	s6 =	sshll.u32 s5, $0x4;
	_ =	strace $0x80000047;
	s13 =	smul.u32 $0x6D60, s5  }
0xa: {  	s8 =	sshll.u32 s2, $0xC;
	s14 =	smul.u32 $0x6D6, s2;
	s6 =	sor.u32 s2, s6  }
0xb: {  	s9 =	sshll.u32 s5, $0x10;
	s12 =	ssub.s32 $0x2, s5;
	s7 =	smul.u32 $0xE0, s6  }
0xc: {  	s9 =	sor.u32 s8, s9;
	s29 =	sshrl.u32 s12, $0x1;
	s11 =	smul.u32 $0x6D60, s6  }
0xd: {  	s6 =	smul.u32 $0x36B00, s6;
	s9 =	sshrl.u32 s9, $0x3;
	s12 =	ssub.s32 s12, s29  }
0xe: {  	s31 =	sadd.s32 s14, s13;
	s13 =	simm.s32 $0x4E80;
	s14 =	simm.s32 $0x8D00  }
0xf: {  	s9 =	sadd.s32 s9, s4;
	s7 =	sadd.s32 s7, s4;
	s6 =	sshrl.u32 s6, $0x3  }
0x10: {  	s4 =	sadd.s32 s10, s11;
	s11 =	sshll.u32 s31, $0x4;
	s30 =	sadd.s32 s10, s6  }
0x11: {  	s6 =	sadd.s32 $0x1000, s7;
	s7 =	sadd.s32 s8, s1;
	s8 =	sadd.s32 $0x4200, s9  }
0x12: {  	s9 =	smax.u32 s12, $0x1;
	s11 =	sadd.s32 s10, s11;
	s12 =	simm.s32 $0x1000  }
0x13: {  	v0 =	vimm.f32 $0.0e+00;
	s5 =	sadd.s32 $0x7D0, s30;
	s10 =	sadd.s32 $0x1770, s11;
	s11 =	sadd.s32 $0xFA0, s11  }
.LBB2_1:
0x14: {  	[tilespmem:s12], [sflag:$0x1] =	stream.linear.gather [hbm4b:s4+s3], $0x3E80, $0x38;
	[tilespmem:$0xA400] =	vst v63  }
0x15: {  	_ = 	snop  }
0x16: {  	[tilespmem:s13], [sflag:$0x2] =	stream.linear.gather [hbm4b:s5+s3], $0x3E80, $0x38;
	[tilespmem:$0xA400] =	vst v63  }
0x17: {  	s25 =	simm.s32 $0x0;
	s26 =	simm.s32 $0x200  }
0x18: {  	[tilespmem:s14], [sflag:$0x3] =	stream.linear.gather [hbm4b:s6+s3], $0x700, $0x38;
	[tilespmem:$0xA400] =	vst v63  }
.LBB2_2:
0x19: {  	p0 =	sne.s32 s26, $0x3E00;
	[tilespmem:s25+$0x9470] =	vst v0  }
0x1a: {  	[tilespmem:s25+$0x9400] =	vst v0  }
0x1b: {  	[tilespmem:s25+$0x9410] =	vst v0  }
.Ltmp0:
0x1c: {  	[tilespmem:s25+$0x9420] =	vst v0;
	(pc) =	sbr.rel @p0 .LBB2_2-.Ltmp0, $4  }
0x1d: {  	[tilespmem:s25+$0x9430] =	vst v0  }
0x1e: {  	[tilespmem:s25+$0x9440] =	vst v0  }
0x1f: {  	[tilespmem:s25+$0x9450] =	vst v0  }
0x20: {  	[tilespmem:s25+$0x9460] =	vst v0;
	s25 =	sshra.s32 s26, $0x2;
	s26 =	sadd.s32 $0x200, s26  }
0x21: {  	[tilespmem:s25+$0x9470] =	vst v0  }
0x22: {  	[tilespmem:s25+$0x9400] =	vst v0  }
0x23: {  	[tilespmem:s25+$0x9410] =	vst v0  }
0x24: {  	[tilespmem:s25+$0x9420] =	vst v0  }
0x25: {  	[tilespmem:s25+$0x9430] =	vst v0  }
0x26: {  	[tilespmem:s25+$0x9440] =	vst v0  }
0x27: {  	[tilespmem:s25+$0x9450] =	vst v0  }
0x28: {  	[tilespmem:s25+$0x9460] =	vst v0  }
0x29: {  	[spmem:s7] =	stream.linear.scatter [tilespmem:s15], [sflag:$0x5], $0x1000, $0x38;
	[tilespmem:$0xA400] =	vst v63  }
0x2a: {  	_ =	swait.ge [sflag:s16], $0x1000  }
0x2b: {  	[sflag:s16] =	ssyncset.done $0x0  }
0x2c: {  	[sflag:s16] =	ssyncadd.s32 $0xFFFFF000  }
0x2d: {  	_ =	swait.ge [sflag:s17], $0x700  }
0x2e: {  	[sflag:s17] =	ssyncset.done $0x0  }
0x2f: {  	[sflag:s17] =	ssyncadd.s32 $0xFFFFF900  }
0x30: {  	[bflag:$0x0] =	sbarrier.arrive $0xFFFF  }
0x31: {  	_ =	swait.ge [sflag:s18], $0x3E80  }
0x32: {  	[sflag:s18] =	ssyncset.done $0x0  }
0x33: {  	s29 =	simm.s32 $0x8D00;
	[sflag:s18] =	ssyncadd.s32 $0xFFFFC180  }
0x34: {  	[spmem:s1] =	stream.indirect.scatter.add.f32 [tilespmem:s12], [sflag:$0x3], $0x80, s29, s19, $0xb8;
	[tilespmem:$0xA400] =	vst v63  }
0x35: {  	_ =	swait.ge [sflag:s20], $0x3E80  }
0x36: {  	[sflag:s20] =	ssyncset.done $0x0  }
0x37: {  	s30 =	simm.s32 $0x8D80;
	[sflag:s20] =	ssyncadd.s32 $0xFFFFC180  }
0x38: {  	[spmem:s1] =	stream.indirect.scatter.add.f32 [tilespmem:s13], [sflag:$0x4], $0x80, s30, s19, $0xb8;
	[tilespmem:$0xA400] =	vst v63  }
0x39: {  	_ =	swait.ge [sflag:s17], $0x3E80  }
0x3a: {  	[sflag:s17] =	ssyncset.done $0x0  }
0x3b: {  	s31 =	sadd.s32 $0x0, s11;
	[sflag:s17] =	ssyncadd.s32 $0xFFFFC180  }
0x3c: {  	[tilespmem:s12], [sflag:$0x1] =	stream.linear.gather [hbm4b:s31+s3], $0x3E80, $0x38;
	[tilespmem:$0xA400] =	vst v63  }
0x3d: {  	_ =	swait.ge [sflag:s21], $0x3E80  }
0x3e: {  	s25 =	simm.s32 $0xFA0;
	[sflag:s21] =	ssyncset.done $0x0  }
0x3f: {  	s28 =	sadd.s32 $0x0, s10;
	s26 =	simm.s32 $0x8E80;
	[sflag:s21] =	ssyncadd.s32 $0xFFFFC180  }
.LBB2_4:
0x40: {  	[tilespmem:s13], [sflag:$0x2] =	stream.linear.gather [hbm4b:s28+s3], $0x3E80, $0x38;
	[tilespmem:$0xA400] =	vst v63  }
0x41: {  	s28 =	smov.u32 s25  }
0x42: {  	p0 =	sne.s32 s25, $0x4E20;
	s25 =	sadd.s32 $0xFA0, s25;
	_ =	swait.ge [sflag:s18], $0x3E80  }
0x43: {  	[sflag:s18] =	ssyncset.done $0x0  }
0x44: {  	s29 =	sadd.s32 $0xFFFFFF80, s26;
	[sflag:s18] =	ssyncadd.s32 $0xFFFFC180  }
0x45: {  	[spmem:s1] =	stream.indirect.scatter.add.f32 [tilespmem:s12], [sflag:$0x3], $0x80, s29, s19, $0xb8;
	[tilespmem:$0xA400] =	vst v63  }
0x46: {  	_ =	swait.ge [sflag:s20], $0x3E80  }
0x47: {  	[sflag:s20] =	ssyncset.done $0x0  }
0x48: {  	[sflag:s20] =	ssyncadd.s32 $0xFFFFC180  }
0x49: {  	[spmem:s1] =	stream.indirect.scatter.add.f32 [tilespmem:s13], [sflag:$0x4], $0x80, s26, s19, $0xb8;
	[tilespmem:$0xA400] =	vst v63  }
0x4a: {  	_ =	swait.ge [sflag:s17], $0x3E80  }
0x4b: {  	[sflag:s17] =	ssyncset.done $0x0  }
.Ltmp1:
0x4c: {  	s29 =	sadd.s32 s28, s11;
	[sflag:s17] =	ssyncadd.s32 $0xFFFFC180;
	(pc) =	sbr.rel @p0 .LBB2_4-.Ltmp1, $4  }
0x4d: {  	[tilespmem:s12], [sflag:$0x1] =	stream.linear.gather [hbm4b:s29+s3], $0x3E80, $0x38;
	[tilespmem:$0xA400] =	vst v63  }
0x4e: {  	_ =	swait.ge [sflag:s21], $0x3E80  }
0x4f: {  	[sflag:s21] =	ssyncset.done $0x0  }
0x50: {  	s28 =	sadd.s32 s28, s10;
	s26 =	sadd.s32 $0x100, s26;
	[sflag:s21] =	ssyncadd.s32 $0xFFFFC180  }
0x51: {  	[tilespmem:s13], [sflag:$0x2] =	stream.linear.gather [hbm4b:s28+s3], $0x3E80, $0x38;
	[tilespmem:$0xA400] =	vst v63  }
0x52: {  	_ =	swait.ge [sflag:s18], $0x3E80  }
0x53: {  	[sflag:s18] =	ssyncset.done $0x0  }
0x54: {  	[sflag:s18] =	ssyncadd.s32 $0xFFFFC180  }
0x55: {  	[spmem:s1] =	stream.indirect.scatter.add.f32 [tilespmem:s12], [sflag:$0x3], $0x80, s22, s19, $0xb8;
	[tilespmem:$0xA400] =	vst v63  }
0x56: {  	_ =	swait.ge [sflag:s20], $0x3E80  }
0x57: {  	[sflag:s20] =	ssyncset.done $0x0  }
0x58: {  	[sflag:s20] =	ssyncadd.s32 $0xFFFFC180  }
0x59: {  	[spmem:s1] =	stream.indirect.scatter.add.f32 [tilespmem:s13], [sflag:$0x4], $0x80, s23, s19, $0xb8;
	[tilespmem:$0xA400] =	vst v63  }
0x5a: {  	_ =	swait.ge [sflag:s17], $0x3E80  }
0x5b: {  	[sflag:s17] =	ssyncset.done $0x0  }
0x5c: {  	[sflag:s17] =	ssyncadd.s32 $0xFFFFC180  }
0x5d: {  	_ =	swait.ge [sflag:s21], $0x3E80  }
0x5e: {  	s25 =	sshll.u32 s2, $0x6;
	s24 =	sadd.s32 $0x1, s24;
	[sflag:s21] =	ssyncset.done $0x0  }
0x5f: {  	s26 =	sshrl.u32 s7, $0x3;
	p0 =	sne.s32 s24, s9;
	[sflag:s21] =	ssyncadd.s32 $0xFFFFC180  }
.Ltmp2:
0x60: {  	s25 =	sor.u32 $0x1C05, s25;
	[bflag:$0x0] =	sbarrier.arrive $0xFFFF;
	(pc) =	sbr.rel @p0 .LBB2_1-.Ltmp2, $4  }
0x61: {  	[hbm:s8], [sflag:s25] =	dma.local [spmem:s26], $0x200  }
0x62: {  	_ =	swait.ge [sflag:s16], $0x200  }
0x63: {  	[sflag:s16] =	ssyncset.done $0x0  }
0x64: {  	[sflag:s16] =	ssyncadd.s32 $0xFFFFFE00  }
0x65: {  	_ =	sfence.sel $0x180000  }
0x66: {  	[bflag:$0x0] =	sbarrier.arrive $0xFFFF  }
0x67: {  	p0 =	sne.s32 s2, $0x0;
	_ =	strace $0x90000047  }
0x68: {  	s0 =	sadd.s32 @!p0 $0x100000, s0;
	[bflag:$0x2] =	sbarrier.arrive $0xFFFF  }
0x69: {  	[sflag:s0] =	ssyncadd.tile.s32 @!p0 $0x1;
	_ =	shalt  }
.Lfunc_end2:
_tile_overlayer_lowered:
.L_overlay_start_2:
0x6a: {  	(tag) =	ssettag $0x2  }
0x6b: {  	s0 =	rddreg [dreg:$0x0];
	s2 =	stileid.u32  }
0x6c: {  	s1 =	rddreg [dreg:$0x1];
	p0 =	sne.s32 s2, $0x0  }
0x6d: {  	s3 =	rddreg [dreg:$0x2];
	[bflag:$0x3] =	sbarrier.arrive $0xFFFF;
	s2 =	simm.s32 @!p0 $0x1C05  }
0x6e: {  	[timem:s3], [sflag:s2] =	dma.local @!p0 [hbm:s0], s1  }
0x6f: {  	s0 =	simm.s32 @!p0 $0x5  }
0x70: {  	_ =	swait.ge @!p0 [sflag:s0], s1  }
0x71: {  	s1 =	ssub.s32 @!p0 $0x0, s1;
	[sflag:s0] =	ssyncset.done @!p0 $0x0  }
0x72: {  	[sflag:s0] =	ssyncadd.s32 @!p0 s1  }
0x73: {  	[bflag:$0x3] =	sbarrier.arrive $0xFFFF  }
0x74: {  	_ =	shalt  }

</sc_bundles>
